<compile_context>
chip_gen: v7x
topology: tpu7x:2x2x1
jax: 0.10.2.dev20260603
libtpu: 0.0.44.dev20260713+nightly
codegen_flags: <defaults>
</compile_context>

<pallas_src>
import functools

import jax
import jax.numpy as jnp
from jax import lax
from jax.experimental import pallas as pl
from jax.experimental.pallas import tpu as pltpu
from jax.experimental.pallas import tpu_sc as plsc

_N = 10000
_E = 320000
_FIN = 128
_DIM = 64
_YW = 128
_NG = 64
_NC, _NS = 2, 16
_NW = _NC * _NS
_K = 128
_CH = (_E + _NW * _K - 1) // (_NW * _K)
_EPT = _K * _CH
_EPAD = _NW * _EPT
_AR = 10240
_RPT = _AR // _NS
_RB = 1000
_EPS = 1e-5


@functools.cache
def _sc_kernels():
    mesh = plsc.VectorSubcoreMesh(
        core_axis_name="c", subcore_axis_name="s",
        num_cores=_NC, num_subcores=_NS,
    )

    @functools.partial(
        pl.kernel,
        out_type=jax.ShapeDtypeStruct((_NC, _AR, _YW), jnp.float32),
        mesh=mesh,
        scratch_types=[
            pltpu.VMEM((_K,), jnp.int32),
            pltpu.VMEM((_K,), jnp.int32),
            pltpu.VMEM((_K, _YW), jnp.float32),
            pltpu.VMEM_SHARED((_AR, _YW), jnp.float32),
            pltpu.SemaphoreType.DMA,
        ],
    )
    def _sc_agg(y_hbm, src_hbm, dst_hbm, zero_hbm, out_hbm, src_v, dst_v,
                rows_v, acc_sh, sem):
        c = lax.axis_index("c")
        s = lax.axis_index("s")
        wid = c * _NS + s
        pltpu.sync_copy(zero_hbm, acc_sh.at[pl.ds(s * _RPT, _RPT)])
        plsc.subcore_barrier()

        def body(j, carry):
            base = wid * _EPT + j * _K
            pltpu.sync_copy(src_hbm.at[pl.ds(base, _K)], src_v)
            pltpu.sync_copy(dst_hbm.at[pl.ds(base, _K)], dst_v)
            pltpu.async_copy(y_hbm.at[src_v], rows_v, sem).wait()
            pltpu.sync_copy(rows_v, acc_sh.at[dst_v], add=True)
            return carry

        lax.fori_loop(0, _CH, body, 0)
        plsc.subcore_barrier()
        pltpu.sync_copy(acc_sh.at[pl.ds(s * _RPT, _RPT)],
                        out_hbm.at[c, pl.ds(s * _RPT, _RPT)])

    @functools.partial(
        pl.kernel,
        out_type=jax.ShapeDtypeStruct((_NC, _AR), jnp.float32),
        mesh=mesh,
        scratch_types=[
            pltpu.VMEM((_K,), jnp.int32),
            pltpu.VMEM((_K,), jnp.float32),
            pltpu.VMEM_SHARED((_AR,), jnp.float32),
        ],
    )
    def _sc_deg(dst_hbm, one_hbm, zero_hbm, out_hbm, dst_v, ones_v, acc_sh):
        c = lax.axis_index("c")
        s = lax.axis_index("s")
        wid = c * _NS + s
        pltpu.sync_copy(zero_hbm, acc_sh.at[pl.ds(s * _RPT, _RPT)])
        pltpu.sync_copy(one_hbm, ones_v)
        plsc.subcore_barrier()

        def body(j, carry):
            base = wid * _EPT + j * _K
            pltpu.sync_copy(dst_hbm.at[pl.ds(base, _K)], dst_v)
            pltpu.sync_copy(ones_v, acc_sh.at[dst_v], add=True)
            return carry

        lax.fori_loop(0, _CH, body, 0)
        plsc.subcore_barrier()
        pltpu.sync_copy(acc_sh.at[pl.ds(s * _RPT, _RPT)],
                        out_hbm.at[c, pl.ds(s * _RPT, _RPT)])

    return _sc_agg, _sc_deg


def _mm1_body(x_ref, w_ref, degp_ref, y_ref, dinv_ref):
    d = degp_ref[0] + degp_ref[1] + 1.0
    dinv = lax.rsqrt(d)
    dinv_ref[...] = dinv
    y = dinv * jnp.dot(x_ref[...], w_ref[...],
                       preferred_element_type=jnp.float32)
    y_ref[...] = jnp.concatenate(
        [y, jnp.zeros((_RB, _YW - _DIM), jnp.float32)], axis=1)


def _zstat_body(aggp_ref, y_ref, dinv_ref, b_ref, z_ref, st_ref):
    i = pl.program_id(0)
    a = aggp_ref[0] + aggp_ref[1] + y_ref[...]
    z = dinv_ref[...] * a[:, :_DIM] + b_ref[...]
    z_ref[...] = z
    s = jnp.sum(z, axis=0, keepdims=True)
    ss = jnp.sum(z * z, axis=0, keepdims=True)
    st = jnp.concatenate([s, ss], axis=0)

    @pl.when(i == 0)
    def _():
        st_ref[...] = st

    @pl.when(i > 0)
    def _():
        st_ref[...] = st_ref[...] + st


def _bnmm_body(z_ref, st_ref, g_ref, be_ref, w_ref, dinv_ref, y_ref):
    mu = st_ref[0:1] / _N
    var = st_ref[1:2] / _N - mu * mu
    rstd = lax.rsqrt(var + _EPS)
    h = jnp.maximum((z_ref[...] - mu) * (rstd * g_ref[...]) + be_ref[...], 0.0)
    y = dinv_ref[...] * jnp.dot(h, w_ref[...],
                                preferred_element_type=jnp.float32)
    y_ref[...] = jnp.concatenate(
        [y, jnp.zeros((_RB, _YW - _DIM), jnp.float32)], axis=1)


def _final_body(z_ref, st_ref, g_ref, be_ref, batch_ref, fcw_ref, fcb_ref,
                h_ref, ge_ref, out_ref, m_acc):
    i = pl.program_id(0)
    mu = st_ref[0:1] / _N
    var = st_ref[1:2] / _N - mu * mu
    rstd = lax.rsqrt(var + _EPS)
    h = jnp.maximum((z_ref[...] - mu) * (rstd * g_ref[...]) + be_ref[...], 0.0)
    h_ref[...] = h
    bb = batch_ref[...]

    @pl.when(i == 0)
    def _():
        m_acc[...] = jnp.full((_NG, _DIM), -jnp.inf, jnp.float32)

    def upd(g, carry):
        row = jnp.max(jnp.where(bb == g, h, -jnp.inf), axis=0, keepdims=True)
        m_acc[pl.ds(g, 1), :] = jnp.maximum(m_acc[pl.ds(g, 1), :], row)
        return carry

    lax.fori_loop(0, _NG, upd, 0)
    ge_ref[...] = m_acc[...]
    out_ref[...] = jnp.dot(m_acc[...], fcw_ref[...],
                           preferred_element_type=jnp.float32) + fcb_ref[...]


_GRID = _N // _RB


def _mm1(x, W1, degp3):
    return pl.pallas_call(
        _mm1_body,
        grid=(_GRID,),
        in_specs=[
            pl.BlockSpec((_RB, _FIN), lambda i: (i, 0)),
            pl.BlockSpec((_FIN, _DIM), lambda i: (0, 0)),
            pl.BlockSpec((_NC, _RB, 1), lambda i: (0, i, 0)),
        ],
        out_specs=[
            pl.BlockSpec((_RB, _YW), lambda i: (i, 0)),
            pl.BlockSpec((_RB, 1), lambda i: (i, 0)),
        ],
        out_shape=[
            jax.ShapeDtypeStruct((_N, _YW), jnp.float32),
            jax.ShapeDtypeStruct((_N, 1), jnp.float32),
        ],
    )(x, W1, degp3)


def _zstat(aggp, y, dinv, b):
    return pl.pallas_call(
        _zstat_body,
        grid=(_GRID,),
        in_specs=[
            pl.BlockSpec((_NC, _RB, _YW), lambda i: (0, i, 0)),
            pl.BlockSpec((_RB, _YW), lambda i: (i, 0)),
            pl.BlockSpec((_RB, 1), lambda i: (i, 0)),
            pl.BlockSpec((1, _DIM), lambda i: (0, 0)),
        ],
        out_specs=[
            pl.BlockSpec((_RB, _DIM), lambda i: (i, 0)),
            pl.BlockSpec((2, _DIM), lambda i: (0, 0)),
        ],
        out_shape=[
            jax.ShapeDtypeStruct((_N, _DIM), jnp.float32),
            jax.ShapeDtypeStruct((2, _DIM), jnp.float32),
        ],
    )(aggp, y, dinv, b)


def _bnmm(z, st, g, be, W, dinv):
    return pl.pallas_call(
        _bnmm_body,
        grid=(_GRID,),
        in_specs=[
            pl.BlockSpec((_RB, _DIM), lambda i: (i, 0)),
            pl.BlockSpec((2, _DIM), lambda i: (0, 0)),
            pl.BlockSpec((1, _DIM), lambda i: (0, 0)),
            pl.BlockSpec((1, _DIM), lambda i: (0, 0)),
            pl.BlockSpec((_DIM, _DIM), lambda i: (0, 0)),
            pl.BlockSpec((_RB, 1), lambda i: (i, 0)),
        ],
        out_specs=pl.BlockSpec((_RB, _YW), lambda i: (i, 0)),
        out_shape=jax.ShapeDtypeStruct((_N, _YW), jnp.float32),
    )(z, st, g, be, W, dinv)


def _final(z, st, g, be, batch2, fcW, fcb):
    return pl.pallas_call(
        _final_body,
        grid=(_GRID,),
        in_specs=[
            pl.BlockSpec((_RB, _DIM), lambda i: (i, 0)),
            pl.BlockSpec((2, _DIM), lambda i: (0, 0)),
            pl.BlockSpec((1, _DIM), lambda i: (0, 0)),
            pl.BlockSpec((1, _DIM), lambda i: (0, 0)),
            pl.BlockSpec((_RB, 1), lambda i: (i, 0)),
            pl.BlockSpec((_DIM, 2), lambda i: (0, 0)),
            pl.BlockSpec((1, 2), lambda i: (0, 0)),
        ],
        out_specs=[
            pl.BlockSpec((_RB, _DIM), lambda i: (i, 0)),
            pl.BlockSpec((_NG, _DIM), lambda i: (0, 0)),
            pl.BlockSpec((_NG, 2), lambda i: (0, 0)),
        ],
        out_shape=[
            jax.ShapeDtypeStruct((_N, _DIM), jnp.float32),
            jax.ShapeDtypeStruct((_NG, _DIM), jnp.float32),
            jax.ShapeDtypeStruct((_NG, 2), jnp.float32),
        ],
        scratch_shapes=[pltpu.VMEM((_NG, _DIM), jnp.float32)],
    )(z, st, g, be, batch2, fcW, fcb)


def kernel(x, edge_index, batch, W1, b1, g1, be1, W2, b2, g2, be2,
           W3, b3, g3, be3, fcW, fcb):
    src = edge_index[0]
    dst = edge_index[1]
    pad = _EPAD - _E
    srcp = jnp.concatenate([src, jnp.zeros((pad,), jnp.int32)])
    dstp = jnp.concatenate([dst, jnp.full((pad,), _N, jnp.int32)])
    zerosY = jnp.zeros((_RPT, _YW), jnp.float32)
    zeros1 = jnp.zeros((_RPT,), jnp.float32)
    ones1 = jnp.ones((_K,), jnp.float32)

    sc_agg, sc_deg = _sc_kernels()
    degp = sc_deg(dstp, ones1, zeros1)
    degp3 = degp.reshape(_NC, _AR, 1)
    y1, dinv = _mm1(x, W1, degp3)
    agg1 = sc_agg(y1, srcp, dstp, zerosY)
    z1, st1 = _zstat(agg1, y1, dinv, b1.reshape(1, -1))
    y2 = _bnmm(z1, st1, g1.reshape(1, -1), be1.reshape(1, -1), W2, dinv)
    agg2 = sc_agg(y2, srcp, dstp, zerosY)
    z2, st2 = _zstat(agg2, y2, dinv, b2.reshape(1, -1))
    y3 = _bnmm(z2, st2, g2.reshape(1, -1), be2.reshape(1, -1), W3, dinv)
    agg3 = sc_agg(y3, srcp, dstp, zerosY)
    z3, st3 = _zstat(agg3, y3, dinv, b3.reshape(1, -1))
    node, ge, out = _final(z3, st3, g3.reshape(1, -1), be3.reshape(1, -1),
                           batch.reshape(-1, 1), fcW, fcb.reshape(1, -1))
    return (node, ge, out)

# --- scband reference (transcript-rebuilt; emitter-appended) ---
"""Pipeline reference for scband-gnn-76639396430550 (READ-ONLY COPY).

The authoritative reference and input builder live on the scoring server;
editing this copy changes nothing except your own understanding.
"""

import jax, jax.numpy as jnp
import numpy as np

N = 10000
E = 320000
F_IN = 128
DIM = 64
NUM_CLASSES = 2
NUM_GRAPHS = 64


def setup_inputs(seed: int = 0) -> dict:
    key = jax.random.key(seed)
    ks = jax.random.split(key, 20)
    x = jax.random.normal(ks[0], (N, F_IN), dtype=jnp.float32)
    edge_index = jax.random.randint(ks[1], (2, E), 0, N, dtype=jnp.int32)
    batch = jnp.sort(jax.random.randint(ks[2], (N,), 0, NUM_GRAPHS, dtype=jnp.int32))
    def glorot(k, shape):
        fan_in, fan_out = shape[0], shape[1]
        limit = np.sqrt(6.0 / (fan_in + fan_out))
        return jax.random.uniform(k, shape, dtype=jnp.float32, minval=-limit, maxval=limit)
    W1 = glorot(ks[3], (F_IN, DIM)); b1 = jnp.zeros((DIM,), jnp.float32)
    W2 = glorot(ks[4], (DIM, DIM)); b2 = jnp.zeros((DIM,), jnp.float32)
    W3 = glorot(ks[5], (DIM, DIM)); b3 = jnp.zeros((DIM,), jnp.float32)
    g1 = jnp.ones((DIM,), jnp.float32); be1 = jnp.zeros((DIM,), jnp.float32)
    g2 = jnp.ones((DIM,), jnp.float32); be2 = jnp.zeros((DIM,), jnp.float32)
    g3 = jnp.ones((DIM,), jnp.float32); be3 = jnp.zeros((DIM,), jnp.float32)
    fcW = glorot(ks[6], (DIM, NUM_CLASSES)); fcb = jnp.zeros((NUM_CLASSES,), jnp.float32)
    return {"x": x, "edge_index": edge_index, "batch": batch,
            "W1": W1, "b1": b1, "g1": g1, "be1": be1,
            "W2": W2, "b2": b2, "g2": g2, "be2": be2,
            "W3": W3, "b3": b3, "g3": g3, "be3": be3,
            "fcW": fcW, "fcb": fcb}


def _gcn_conv(x, src, dst, W, b):
    # PyG GCNConv: add self-loops, symmetric normalization D^-1/2 (A+I) D^-1/2 X W + b
    n = x.shape[0]
    loop = jnp.arange(n, dtype=src.dtype)
    s = jnp.concatenate([src, loop])
    d = jnp.concatenate([dst, loop])
    ew = jnp.ones(s.shape[0], dtype=x.dtype)
    deg = jax.ops.segment_sum(ew, d, num_segments=n)
    dinv = jnp.where(deg > 0, 1.0 / jnp.sqrt(jnp.where(deg > 0, deg, 1.0)), 0.0)
    norm = dinv[s] * ew * dinv[d]
    xw = x @ W
    msg = xw[s] * norm[:, None]
    out = jax.ops.segment_sum(msg, d, num_segments=n)
    return out + b


def _batchnorm(x, g, b, eps=1e-5):
    mu = jnp.mean(x, axis=0)
    var = jnp.var(x, axis=0)  # biased, matching torch BN normalization
    return (x - mu) / jnp.sqrt(var + eps) * g + b


def reference(x, edge_index, batch, W1, b1, g1, be1, W2, b2, g2, be2, W3, b3, g3, be3, fcW, fcb):
    src, dst = edge_index[0], edge_index[1]
    h = x.astype(jnp.float32)
    h = jax.nn.relu(_batchnorm(_gcn_conv(h, src, dst, W1, b1), g1, be1))
    h = jax.nn.relu(_batchnorm(_gcn_conv(h, src, dst, W2, b2), g2, be2))
    h = jax.nn.relu(_batchnorm(_gcn_conv(h, src, dst, W3, b3), g3, be3))
    node_embeddings = h
    graph_embedding = jax.ops.segment_max(node_embeddings, batch, num_segments=NUM_GRAPHS)
    out = graph_embedding @ fcW + fcb
    return (node_embeddings, graph_embedding, out)

if __name__ == "__main__":
    import jax
    _d = setup_inputs()
    print(jax.jit(kernel)(*tuple(_d.values())))

</pallas_src>

<mosaic_0001>
#map = affine_map<(d0, d1) -> (0, 0)>
#map1 = affine_map<(d0, d1) -> (0)>
#map2 = affine_map<(d0, d1) -> (0, 0, 0)>
module attributes {stable_mosaic.version = 14 : i64} {
  func.func @_sc_agg(%arg0: i32, %arg1: i32, %arg2: memref<10000x128xf32, #tpu.memory_space<hbm>>, %arg3: memref<323584xi32, #tpu.memory_space<hbm>>, %arg4: memref<323584xi32, #tpu.memory_space<hbm>>, %arg5: memref<640x128xf32, #tpu.memory_space<hbm>>, %arg6: memref<2x10240x128xf32, #tpu.memory_space<hbm>>, %arg7: memref<128xi32, #tpu.memory_space<vmem>>, %arg8: memref<128xi32, #tpu.memory_space<vmem>>, %arg9: memref<128x128xf32, #tpu.memory_space<vmem>>, %arg10: memref<10240x128xf32, #tpu.memory_space<vmem_shared>>, %arg11: memref<!tpu.dma_semaphore, #tpu.memory_space<semaphore_mem>>) attributes {dimension_semantics = [#tpu.dimension_semantics<core_parallel>, #tpu.dimension_semantics<subcore_parallel>], iteration_bounds = array<i64: 2, 16>, scalar_prefetch = 0 : i64, scratch_operands = 5 : i64, tpu.core_type = #tpu.core_type<sc_vector_subcore>, window_params = [{transform_indices = #map}, {transform_indices = #map1}, {transform_indices = #map1}, {transform_indices = #map}, {transform_indices = #map2}]} {
    %mul3A = arith.constant 16 : i32
    %mul3A_0 = arith.muli %arg0, %mul3A : i32
    %add3A = arith.addi %mul3A_0, %arg1 : i32
    %mul3A_1 = arith.constant 640 : i32
    %mul3A_2 = arith.muli %arg1, %mul3A_1 : i32
    "tpu.region"() ({
      %run_scoped3A = tpu.sem_alloc : memref<!tpu.dma_semaphore, #tpu.memory_space<semaphore_mem>>
      %dma_start3A = arith.constant 0 : i32
      %dma_start3A_13 = tpu.memref_slice %arg10[%mul3A_2, %dma_start3A] : memref<10240x128xf32, #tpu.memory_space<vmem_shared>> -> memref<640x128xf32, #tpu.memory_space<vmem_shared>>
      tpu.enqueue_dma source(%arg5 : memref<640x128xf32, #tpu.memory_space<hbm>>) target(%dma_start3A_13 : memref<640x128xf32, #tpu.memory_space<vmem_shared>>) target_semaphore(%run_scoped3A : memref<!tpu.dma_semaphore, #tpu.memory_space<semaphore_mem>>)
      %dma_wait3A = arith.constant 0 : i32
      %dma_wait3A_14 = tpu.memref_slice %arg10[%mul3A_2, %dma_wait3A] : memref<10240x128xf32, #tpu.memory_space<vmem_shared>> -> memref<640x128xf32, #tpu.memory_space<vmem_shared>>
      tpu.wait_dma2 semaphore(%run_scoped3A : memref<!tpu.dma_semaphore, #tpu.memory_space<semaphore_mem>>) src(%arg5 : memref<640x128xf32, #tpu.memory_space<hbm>>) dst(%dma_wait3A_14 : memref<640x128xf32, #tpu.memory_space<vmem_shared>>)
      tpu.yield
    }) : () -> ()
    %barrier3A = arith.constant 0 : index
    tpu.barrier barrier_id(%barrier3A)
    %scan3A = arith.constant 0 : i32
    %scan3A_3 = arith.constant 0 : i32
    %scan3A_4 = arith.constant 79 : i32
    %scan3A_5 = arith.addi %scan3A_3, %scan3A_4 : i32
    %scan3A_6 = arith.constant 1 : i32
    scf.for %scan3A_13 = %scan3A_3 to %scan3A_5 step %scan3A_6  : i32 {
      %mul3A_14 = arith.constant 10112 : i32
      %mul3A_15 = arith.muli %add3A, %mul3A_14 : i32
      %mul3A_16 = arith.constant 128 : i32
      %mul3A_17 = arith.muli %scan3A_13, %mul3A_16 : i32
      %add3A_18 = arith.addi %mul3A_15, %mul3A_17 : i32
      "tpu.region"() ({
        %run_scoped3A = tpu.sem_alloc : memref<!tpu.dma_semaphore, #tpu.memory_space<semaphore_mem>>
        %dma_start3A_23 = tpu.memref_slice %arg3[%add3A_18] : memref<323584xi32, #tpu.memory_space<hbm>> -> memref<128xi32, #tpu.memory_space<hbm>>
        %dma_start3A_24 = tpu.memref_slice %arg3[%add3A_18] : memref<323584xi32, #tpu.memory_space<hbm>> -> memref<128xi32, #tpu.memory_space<hbm>>
        tpu.enqueue_dma source(%dma_start3A_24 : memref<128xi32, #tpu.memory_space<hbm>>) target(%arg7 : memref<128xi32, #tpu.memory_space<vmem>>) target_semaphore(%run_scoped3A : memref<!tpu.dma_semaphore, #tpu.memory_space<semaphore_mem>>)
        %dma_wait3A_25 = tpu.memref_slice %arg3[%add3A_18] : memref<323584xi32, #tpu.memory_space<hbm>> -> memref<128xi32, #tpu.memory_space<hbm>>
        %dma_wait3A_26 = tpu.memref_slice %arg3[%add3A_18] : memref<323584xi32, #tpu.memory_space<hbm>> -> memref<128xi32, #tpu.memory_space<hbm>>
        tpu.wait_dma2 semaphore(%run_scoped3A : memref<!tpu.dma_semaphore, #tpu.memory_space<semaphore_mem>>) src(%dma_wait3A_26 : memref<128xi32, #tpu.memory_space<hbm>>) dst(%arg7 : memref<128xi32, #tpu.memory_space<vmem>>)
        tpu.yield
      }) : () -> ()
      "tpu.region"() ({
        %run_scoped3A = tpu.sem_alloc : memref<!tpu.dma_semaphore, #tpu.memory_space<semaphore_mem>>
        %dma_start3A_23 = tpu.memref_slice %arg4[%add3A_18] : memref<323584xi32, #tpu.memory_space<hbm>> -> memref<128xi32, #tpu.memory_space<hbm>>
        %dma_start3A_24 = tpu.memref_slice %arg4[%add3A_18] : memref<323584xi32, #tpu.memory_space<hbm>> -> memref<128xi32, #tpu.memory_space<hbm>>
        tpu.enqueue_dma source(%dma_start3A_24 : memref<128xi32, #tpu.memory_space<hbm>>) target(%arg8 : memref<128xi32, #tpu.memory_space<vmem>>) target_semaphore(%run_scoped3A : memref<!tpu.dma_semaphore, #tpu.memory_space<semaphore_mem>>)
        %dma_wait3A_25 = tpu.memref_slice %arg4[%add3A_18] : memref<323584xi32, #tpu.memory_space<hbm>> -> memref<128xi32, #tpu.memory_space<hbm>>
        %dma_wait3A_26 = tpu.memref_slice %arg4[%add3A_18] : memref<323584xi32, #tpu.memory_space<hbm>> -> memref<128xi32, #tpu.memory_space<hbm>>
        tpu.wait_dma2 semaphore(%run_scoped3A : memref<!tpu.dma_semaphore, #tpu.memory_space<semaphore_mem>>) src(%dma_wait3A_26 : memref<128xi32, #tpu.memory_space<hbm>>) dst(%arg8 : memref<128xi32, #tpu.memory_space<vmem>>)
        tpu.yield
      }) : () -> ()
      %dma_start3A = arith.constant 0 : i32
      %dma_start3A_19 = arith.constant 0 : i32
      %dma_start3A_20 = tpu.memref_slice %arg2[%dma_start3A, %dma_start3A_19] : memref<10000x128xf32, #tpu.memory_space<hbm>> -> memref<10000x128xf32, #tpu.memory_space<hbm>>
      tpu.enqueue_indirect_dma source(%dma_start3A_20 : memref<10000x128xf32, #tpu.memory_space<hbm>>) target(%arg9 : memref<128x128xf32, #tpu.memory_space<vmem>>) offsets(%arg7 : memref<128xi32, #tpu.memory_space<vmem>>) semaphore(%arg11 : memref<!tpu.dma_semaphore, #tpu.memory_space<semaphore_mem>>)
      %dma_wait3A = arith.constant 0 : i32
      %dma_wait3A_21 = arith.constant 0 : i32
      %dma_wait3A_22 = tpu.memref_slice %arg2[%dma_wait3A, %dma_wait3A_21] : memref<10000x128xf32, #tpu.memory_space<hbm>> -> memref<10000x128xf32, #tpu.memory_space<hbm>>
      tpu.wait_indirect_dma semaphore(%arg11 : memref<!tpu.dma_semaphore, #tpu.memory_space<semaphore_mem>>) src(%dma_wait3A_22 : memref<10000x128xf32, #tpu.memory_space<hbm>>) dst(%arg9 : memref<128x128xf32, #tpu.memory_space<vmem>>)
      "tpu.region"() ({
        %run_scoped3A = tpu.sem_alloc : memref<!tpu.dma_semaphore, #tpu.memory_space<semaphore_mem>>
        %dma_start3A_23 = arith.constant 0 : i32
        %dma_start3A_24 = arith.constant 0 : i32
        %dma_start3A_25 = tpu.memref_slice %arg10[%dma_start3A_23, %dma_start3A_24] : memref<10240x128xf32, #tpu.memory_space<vmem_shared>> -> memref<10240x128xf32, #tpu.memory_space<vmem_shared>>
        tpu.enqueue_indirect_dma source(%arg9 : memref<128x128xf32, #tpu.memory_space<vmem>>) target(%dma_start3A_25 : memref<10240x128xf32, #tpu.memory_space<vmem_shared>>) offsets(%arg8 : memref<128xi32, #tpu.memory_space<vmem>>) semaphore(%run_scoped3A : memref<!tpu.dma_semaphore, #tpu.memory_space<semaphore_mem>>) {add = true}
        %dma_wait3A_26 = arith.constant 0 : i32
        %dma_wait3A_27 = arith.constant 0 : i32
        %dma_wait3A_28 = tpu.memref_slice %arg10[%dma_wait3A_26, %dma_wait3A_27] : memref<10240x128xf32, #tpu.memory_space<vmem_shared>> -> memref<10240x128xf32, #tpu.memory_space<vmem_shared>>
        tpu.wait_indirect_dma semaphore(%run_scoped3A : memref<!tpu.dma_semaphore, #tpu.memory_space<semaphore_mem>>) src(%arg9 : memref<128x128xf32, #tpu.memory_space<vmem>>) dst(%dma_wait3A_28 : memref<10240x128xf32, #tpu.memory_space<vmem_shared>>)
        tpu.yield
      }) : () -> ()
    }
    %scan3A_7 = arith.constant 79 : i32
    %barrier3A_8 = arith.constant 0 : index
    tpu.barrier barrier_id(%barrier3A_8)
    %mul3A_9 = arith.constant 640 : i32
    %mul3A_10 = arith.muli %arg1, %mul3A_9 : i32
    %mul3A_11 = arith.constant 640 : i32
    %mul3A_12 = arith.muli %arg1, %mul3A_11 : i32
    "tpu.region"() ({
      %run_scoped3A = tpu.sem_alloc : memref<!tpu.dma_semaphore, #tpu.memory_space<semaphore_mem>>
      %dma_start3A = arith.constant 0 : i32
      %dma_start3A_13 = tpu.memref_slice %arg6[%arg0, %mul3A_12, %dma_start3A] : memref<2x10240x128xf32, #tpu.memory_space<hbm>> -> memref<1x640x128xf32, #tpu.memory_space<hbm>>
      %dma_start3A_14 = tpu.memref_squeeze %dma_start3A_13 : memref<1x640x128xf32, #tpu.memory_space<hbm>> -> memref<640x128xf32, #tpu.memory_space<hbm>>
      %dma_start3A_15 = arith.constant 0 : i32
      %dma_start3A_16 = tpu.memref_slice %arg10[%mul3A_10, %dma_start3A_15] : memref<10240x128xf32, #tpu.memory_space<vmem_shared>> -> memref<640x128xf32, #tpu.memory_space<vmem_shared>>
      tpu.enqueue_dma source(%dma_start3A_16 : memref<640x128xf32, #tpu.memory_space<vmem_shared>>) target(%dma_start3A_14 : memref<640x128xf32, #tpu.memory_space<hbm>>) target_semaphore(%run_scoped3A : memref<!tpu.dma_semaphore, #tpu.memory_space<semaphore_mem>>)
      %dma_wait3A = arith.constant 0 : i32
      %dma_wait3A_17 = tpu.memref_slice %arg6[%arg0, %mul3A_12, %dma_wait3A] : memref<2x10240x128xf32, #tpu.memory_space<hbm>> -> memref<1x640x128xf32, #tpu.memory_space<hbm>>
      %dma_wait3A_18 = tpu.memref_squeeze %dma_wait3A_17 : memref<1x640x128xf32, #tpu.memory_space<hbm>> -> memref<640x128xf32, #tpu.memory_space<hbm>>
      %dma_wait3A_19 = arith.constant 0 : i32
      %dma_wait3A_20 = tpu.memref_slice %arg10[%mul3A_10, %dma_wait3A_19] : memref<10240x128xf32, #tpu.memory_space<vmem_shared>> -> memref<640x128xf32, #tpu.memory_space<vmem_shared>>
      tpu.wait_dma2 semaphore(%run_scoped3A : memref<!tpu.dma_semaphore, #tpu.memory_space<semaphore_mem>>) src(%dma_wait3A_20 : memref<640x128xf32, #tpu.memory_space<vmem_shared>>) dst(%dma_wait3A_18 : memref<640x128xf32, #tpu.memory_space<hbm>>)
      tpu.yield
    }) : () -> ()
    return
  }
}

#map = affine_map<(d0, d1) -> (0, 0)>
#map1 = affine_map<(d0, d1) -> (0)>
#map2 = affine_map<(d0, d1) -> (0, 0, 0)>
module attributes {stable_mosaic.version = 14 : i64} {
  func.func @_sc_agg(%arg0: i32, %arg1: i32, %arg2: memref<10000x128xf32, #tpu.memory_space<hbm>>, %arg3: memref<323584xi32, #tpu.memory_space<hbm>>, %arg4: memref<323584xi32, #tpu.memory_space<hbm>>, %arg5: memref<640x128xf32, #tpu.memory_space<hbm>>, %arg6: memref<2x10240x128xf32, #tpu.memory_space<hbm>>, %arg7: memref<128xi32, #tpu.memory_space<vmem>>, %arg8: memref<128xi32, #tpu.memory_space<vmem>>, %arg9: memref<128x128xf32, #tpu.memory_space<vmem>>, %arg10: memref<10240x128xf32, #tpu.memory_space<vmem_shared>>, %arg11: memref<!tpu.dma_semaphore, #tpu.memory_space<semaphore_mem>>) attributes {dimension_semantics = [#tpu.dimension_semantics<core_parallel>, #tpu.dimension_semantics<subcore_parallel>], iteration_bounds = array<i64: 2, 16>, scalar_prefetch = 0 : i64, scratch_operands = 5 : i64, tpu.core_type = #tpu.core_type<sc_vector_subcore>, window_params = [{transform_indices = #map}, {transform_indices = #map1}, {transform_indices = #map1}, {transform_indices = #map}, {transform_indices = #map2}]} {
    %mul3A = arith.constant 16 : i32
    %mul3A_0 = arith.muli %arg0, %mul3A : i32
    %add3A = arith.addi %mul3A_0, %arg1 : i32
    %mul3A_1 = arith.constant 640 : i32
    %mul3A_2 = arith.muli %arg1, %mul3A_1 : i32
    "tpu.region"() ({
      %run_scoped3A = tpu.sem_alloc : memref<!tpu.dma_semaphore, #tpu.memory_space<semaphore_mem>>
      %dma_start3A = arith.constant 0 : i32
      %dma_start3A_13 = tpu.memref_slice %arg10[%mul3A_2, %dma_start3A] : memref<10240x128xf32, #tpu.memory_space<vmem_shared>> -> memref<640x128xf32, #tpu.memory_space<vmem_shared>>
      tpu.enqueue_dma source(%arg5 : memref<640x128xf32, #tpu.memory_space<hbm>>) target(%dma_start3A_13 : memref<640x128xf32, #tpu.memory_space<vmem_shared>>) target_semaphore(%run_scoped3A : memref<!tpu.dma_semaphore, #tpu.memory_space<semaphore_mem>>)
      %dma_wait3A = arith.constant 0 : i32
      %dma_wait3A_14 = tpu.memref_slice %arg10[%mul3A_2, %dma_wait3A] : memref<10240x128xf32, #tpu.memory_space<vmem_shared>> -> memref<640x128xf32, #tpu.memory_space<vmem_shared>>
      tpu.wait_dma2 semaphore(%run_scoped3A : memref<!tpu.dma_semaphore, #tpu.memory_space<semaphore_mem>>) src(%arg5 : memref<640x128xf32, #tpu.memory_space<hbm>>) dst(%dma_wait3A_14 : memref<640x128xf32, #tpu.memory_space<vmem_shared>>)
      tpu.yield
    }) : () -> ()
    %barrier3A = arith.constant 0 : index
    tpu.barrier barrier_id(%barrier3A)
    %scan3A = arith.constant 0 : i32
    %scan3A_3 = arith.constant 0 : i32
    %scan3A_4 = arith.constant 79 : i32
    %scan3A_5 = arith.addi %scan3A_3, %scan3A_4 : i32
    %scan3A_6 = arith.constant 1 : i32
    scf.for %scan3A_13 = %scan3A_3 to %scan3A_5 step %scan3A_6  : i32 {
      %mul3A_14 = arith.constant 10112 : i32
      %mul3A_15 = arith.muli %add3A, %mul3A_14 : i32
      %mul3A_16 = arith.constant 128 : i32
      %mul3A_17 = arith.muli %scan3A_13, %mul3A_16 : i32
      %add3A_18 = arith.addi %mul3A_15, %mul3A_17 : i32
      "tpu.region"() ({
        %run_scoped3A = tpu.sem_alloc : memref<!tpu.dma_semaphore, #tpu.memory_space<semaphore_mem>>
        %dma_start3A_23 = tpu.memref_slice %arg3[%add3A_18] : memref<323584xi32, #tpu.memory_space<hbm>> -> memref<128xi32, #tpu.memory_space<hbm>>
        %dma_start3A_24 = tpu.memref_slice %arg3[%add3A_18] : memref<323584xi32, #tpu.memory_space<hbm>> -> memref<128xi32, #tpu.memory_space<hbm>>
        tpu.enqueue_dma source(%dma_start3A_24 : memref<128xi32, #tpu.memory_space<hbm>>) target(%arg7 : memref<128xi32, #tpu.memory_space<vmem>>) target_semaphore(%run_scoped3A : memref<!tpu.dma_semaphore, #tpu.memory_space<semaphore_mem>>)
        %dma_wait3A_25 = tpu.memref_slice %arg3[%add3A_18] : memref<323584xi32, #tpu.memory_space<hbm>> -> memref<128xi32, #tpu.memory_space<hbm>>
        %dma_wait3A_26 = tpu.memref_slice %arg3[%add3A_18] : memref<323584xi32, #tpu.memory_space<hbm>> -> memref<128xi32, #tpu.memory_space<hbm>>
        tpu.wait_dma2 semaphore(%run_scoped3A : memref<!tpu.dma_semaphore, #tpu.memory_space<semaphore_mem>>) src(%dma_wait3A_26 : memref<128xi32, #tpu.memory_space<hbm>>) dst(%arg7 : memref<128xi32, #tpu.memory_space<vmem>>)
        tpu.yield
      }) : () -> ()
      "tpu.region"() ({
        %run_scoped3A = tpu.sem_alloc : memref<!tpu.dma_semaphore, #tpu.memory_space<semaphore_mem>>
        %dma_start3A_23 = tpu.memref_slice %arg4[%add3A_18] : memref<323584xi32, #tpu.memory_space<hbm>> -> memref<128xi32, #tpu.memory_space<hbm>>
        %dma_start3A_24 = tpu.memref_slice %arg4[%add3A_18] : memref<323584xi32, #tpu.memory_space<hbm>> -> memref<128xi32, #tpu.memory_space<hbm>>
        tpu.enqueue_dma source(%dma_start3A_24 : memref<128xi32, #tpu.memory_space<hbm>>) target(%arg8 : memref<128xi32, #tpu.memory_space<vmem>>) target_semaphore(%run_scoped3A : memref<!tpu.dma_semaphore, #tpu.memory_space<semaphore_mem>>)
        %dma_wait3A_25 = tpu.memref_slice %arg4[%add3A_18] : memref<323584xi32, #tpu.memory_space<hbm>> -> memref<128xi32, #tpu.memory_space<hbm>>
        %dma_wait3A_26 = tpu.memref_slice %arg4[%add3A_18] : memref<323584xi32, #tpu.memory_space<hbm>> -> memref<128xi32, #tpu.memory_space<hbm>>
        tpu.wait_dma2 semaphore(%run_scoped3A : memref<!tpu.dma_semaphore, #tpu.memory_space<semaphore_mem>>) src(%dma_wait3A_26 : memref<128xi32, #tpu.memory_space<hbm>>) dst(%arg8 : memref<128xi32, #tpu.memory_space<vmem>>)
        tpu.yield
      }) : () -> ()
      %dma_start3A = arith.constant 0 : i32
      %dma_start3A_19 = arith.constant 0 : i32
      %dma_start3A_20 = tpu.memref_slice %arg2[%dma_start3A, %dma_start3A_19] : memref<10000x128xf32, #tpu.memory_space<hbm>> -> memref<10000x128xf32, #tpu.memory_space<hbm>>
      tpu.enqueue_indirect_dma source(%dma_start3A_20 : memref<10000x128xf32, #tpu.memory_space<hbm>>) target(%arg9 : memref<128x128xf32, #tpu.memory_space<vmem>>) offsets(%arg7 : memref<128xi32, #tpu.memory_space<vmem>>) semaphore(%arg11 : memref<!tpu.dma_semaphore, #tpu.memory_space<semaphore_mem>>)
      %dma_wait3A = arith.constant 0 : i32
      %dma_wait3A_21 = arith.constant 0 : i32
      %dma_wait3A_22 = tpu.memref_slice %arg2[%dma_wait3A, %dma_wait3A_21] : memref<10000x128xf32, #tpu.memory_space<hbm>> -> memref<10000x128xf32, #tpu.memory_space<hbm>>
      tpu.wait_indirect_dma semaphore(%arg11 : memref<!tpu.dma_semaphore, #tpu.memory_space<semaphore_mem>>) src(%dma_wait3A_22 : memref<10000x128xf32, #tpu.memory_space<hbm>>) dst(%arg9 : memref<128x128xf32, #tpu.memory_space<vmem>>)
      "tpu.region"() ({
        %run_scoped3A = tpu.sem_alloc : memref<!tpu.dma_semaphore, #tpu.memory_space<semaphore_mem>>
        %dma_start3A_23 = arith.constant 0 : i32
        %dma_start3A_24 = arith.constant 0 : i32
        %dma_start3A_25 = tpu.memref_slice %arg10[%dma_start3A_23, %dma_start3A_24] : memref<10240x128xf32, #tpu.memory_space<vmem_shared>> -> memref<10240x128xf32, #tpu.memory_space<vmem_shared>>
        tpu.enqueue_indirect_dma source(%arg9 : memref<128x128xf32, #tpu.memory_space<vmem>>) target(%dma_start3A_25 : memref<10240x128xf32, #tpu.memory_space<vmem_shared>>) offsets(%arg8 : memref<128xi32, #tpu.memory_space<vmem>>) semaphore(%run_scoped3A : memref<!tpu.dma_semaphore, #tpu.memory_space<semaphore_mem>>) {add = true}
        %dma_wait3A_26 = arith.constant 0 : i32
        %dma_wait3A_27 = arith.constant 0 : i32
        %dma_wait3A_28 = tpu.memref_slice %arg10[%dma_wait3A_26, %dma_wait3A_27] : memref<10240x128xf32, #tpu.memory_space<vmem_shared>> -> memref<10240x128xf32, #tpu.memory_space<vmem_shared>>
        tpu.wait_indirect_dma semaphore(%run_scoped3A : memref<!tpu.dma_semaphore, #tpu.memory_space<semaphore_mem>>) src(%arg9 : memref<128x128xf32, #tpu.memory_space<vmem>>) dst(%dma_wait3A_28 : memref<10240x128xf32, #tpu.memory_space<vmem_shared>>)
        tpu.yield
      }) : () -> ()
    }
    %scan3A_7 = arith.constant 79 : i32
    %barrier3A_8 = arith.constant 0 : index
    tpu.barrier barrier_id(%barrier3A_8)
    %mul3A_9 = arith.constant 640 : i32
    %mul3A_10 = arith.muli %arg1, %mul3A_9 : i32
    %mul3A_11 = arith.constant 640 : i32
    %mul3A_12 = arith.muli %arg1, %mul3A_11 : i32
    "tpu.region"() ({
      %run_scoped3A = tpu.sem_alloc : memref<!tpu.dma_semaphore, #tpu.memory_space<semaphore_mem>>
      %dma_start3A = arith.constant 0 : i32
      %dma_start3A_13 = tpu.memref_slice %arg6[%arg0, %mul3A_12, %dma_start3A] : memref<2x10240x128xf32, #tpu.memory_space<hbm>> -> memref<1x640x128xf32, #tpu.memory_space<hbm>>
      %dma_start3A_14 = tpu.memref_squeeze %dma_start3A_13 : memref<1x640x128xf32, #tpu.memory_space<hbm>> -> memref<640x128xf32, #tpu.memory_space<hbm>>
      %dma_start3A_15 = arith.constant 0 : i32
      %dma_start3A_16 = tpu.memref_slice %arg10[%mul3A_10, %dma_start3A_15] : memref<10240x128xf32, #tpu.memory_space<vmem_shared>> -> memref<640x128xf32, #tpu.memory_space<vmem_shared>>
      tpu.enqueue_dma source(%dma_start3A_16 : memref<640x128xf32, #tpu.memory_space<vmem_shared>>) target(%dma_start3A_14 : memref<640x128xf32, #tpu.memory_space<hbm>>) target_semaphore(%run_scoped3A : memref<!tpu.dma_semaphore, #tpu.memory_space<semaphore_mem>>)
      %dma_wait3A = arith.constant 0 : i32
      %dma_wait3A_17 = tpu.memref_slice %arg6[%arg0, %mul3A_12, %dma_wait3A] : memref<2x10240x128xf32, #tpu.memory_space<hbm>> -> memref<1x640x128xf32, #tpu.memory_space<hbm>>
      %dma_wait3A_18 = tpu.memref_squeeze %dma_wait3A_17 : memref<1x640x128xf32, #tpu.memory_space<hbm>> -> memref<640x128xf32, #tpu.memory_space<hbm>>
      %dma_wait3A_19 = arith.constant 0 : i32
      %dma_wait3A_20 = tpu.memref_slice %arg10[%mul3A_10, %dma_wait3A_19] : memref<10240x128xf32, #tpu.memory_space<vmem_shared>> -> memref<640x128xf32, #tpu.memory_space<vmem_shared>>
      tpu.wait_dma2 semaphore(%run_scoped3A : memref<!tpu.dma_semaphore, #tpu.memory_space<semaphore_mem>>) src(%dma_wait3A_20 : memref<640x128xf32, #tpu.memory_space<vmem_shared>>) dst(%dma_wait3A_18 : memref<640x128xf32, #tpu.memory_space<hbm>>)
      tpu.yield
    }) : () -> ()
    return
  }
}

#map = affine_map<(d0, d1) -> (0)>
#map1 = affine_map<(d0, d1) -> (0, 0)>
module attributes {stable_mosaic.version = 14 : i64} {
  func.func @_sc_deg(%arg0: i32, %arg1: i32, %arg2: memref<323584xi32, #tpu.memory_space<hbm>>, %arg3: memref<128xf32, #tpu.memory_space<hbm>>, %arg4: memref<640xf32, #tpu.memory_space<hbm>>, %arg5: memref<2x10240xf32, #tpu.memory_space<hbm>>, %arg6: memref<128xi32, #tpu.memory_space<vmem>>, %arg7: memref<128xf32, #tpu.memory_space<vmem>>, %arg8: memref<10240xf32, #tpu.memory_space<vmem_shared>>) attributes {dimension_semantics = [#tpu.dimension_semantics<core_parallel>, #tpu.dimension_semantics<subcore_parallel>], iteration_bounds = array<i64: 2, 16>, scalar_prefetch = 0 : i64, scratch_operands = 3 : i64, tpu.core_type = #tpu.core_type<sc_vector_subcore>, window_params = [{transform_indices = #map}, {transform_indices = #map}, {transform_indices = #map}, {transform_indices = #map1}]} {
    %mul3A = arith.constant 16 : i32
    %mul3A_0 = arith.muli %arg0, %mul3A : i32
    %add3A = arith.addi %mul3A_0, %arg1 : i32
    %mul3A_1 = arith.constant 640 : i32
    %mul3A_2 = arith.muli %arg1, %mul3A_1 : i32
    "tpu.region"() ({
      %run_scoped3A = tpu.sem_alloc : memref<!tpu.dma_semaphore, #tpu.memory_space<semaphore_mem>>
      %dma_start3A = tpu.memref_slice %arg8[%mul3A_2] : memref<10240xf32, #tpu.memory_space<vmem_shared>> -> memref<640xf32, #tpu.memory_space<vmem_shared>>
      tpu.enqueue_dma source(%arg4 : memref<640xf32, #tpu.memory_space<hbm>>) target(%dma_start3A : memref<640xf32, #tpu.memory_space<vmem_shared>>) target_semaphore(%run_scoped3A : memref<!tpu.dma_semaphore, #tpu.memory_space<semaphore_mem>>)
      %dma_wait3A = tpu.memref_slice %arg8[%mul3A_2] : memref<10240xf32, #tpu.memory_space<vmem_shared>> -> memref<640xf32, #tpu.memory_space<vmem_shared>>
      tpu.wait_dma2 semaphore(%run_scoped3A : memref<!tpu.dma_semaphore, #tpu.memory_space<semaphore_mem>>) src(%arg4 : memref<640xf32, #tpu.memory_space<hbm>>) dst(%dma_wait3A : memref<640xf32, #tpu.memory_space<vmem_shared>>)
      tpu.yield
    }) : () -> ()
    "tpu.region"() ({
      %run_scoped3A = tpu.sem_alloc : memref<!tpu.dma_semaphore, #tpu.memory_space<semaphore_mem>>
      tpu.enqueue_dma source(%arg3 : memref<128xf32, #tpu.memory_space<hbm>>) target(%arg7 : memref<128xf32, #tpu.memory_space<vmem>>) target_semaphore(%run_scoped3A : memref<!tpu.dma_semaphore, #tpu.memory_space<semaphore_mem>>)
      tpu.wait_dma2 semaphore(%run_scoped3A : memref<!tpu.dma_semaphore, #tpu.memory_space<semaphore_mem>>) src(%arg3 : memref<128xf32, #tpu.memory_space<hbm>>) dst(%arg7 : memref<128xf32, #tpu.memory_space<vmem>>)
      tpu.yield
    }) : () -> ()
    %barrier3A = arith.constant 0 : index
    tpu.barrier barrier_id(%barrier3A)
    %scan3A = arith.constant 0 : i32
    %scan3A_3 = arith.constant 0 : i32
    %scan3A_4 = arith.constant 79 : i32
    %scan3A_5 = arith.addi %scan3A_3, %scan3A_4 : i32
    %scan3A_6 = arith.constant 1 : i32
    scf.for %scan3A_13 = %scan3A_3 to %scan3A_5 step %scan3A_6  : i32 {
      %mul3A_14 = arith.constant 10112 : i32
      %mul3A_15 = arith.muli %add3A, %mul3A_14 : i32
      %mul3A_16 = arith.constant 128 : i32
      %mul3A_17 = arith.muli %scan3A_13, %mul3A_16 : i32
      %add3A_18 = arith.addi %mul3A_15, %mul3A_17 : i32
      "tpu.region"() ({
        %run_scoped3A = tpu.sem_alloc : memref<!tpu.dma_semaphore, #tpu.memory_space<semaphore_mem>>
        %dma_start3A = tpu.memref_slice %arg2[%add3A_18] : memref<323584xi32, #tpu.memory_space<hbm>> -> memref<128xi32, #tpu.memory_space<hbm>>
        %dma_start3A_19 = tpu.memref_slice %arg2[%add3A_18] : memref<323584xi32, #tpu.memory_space<hbm>> -> memref<128xi32, #tpu.memory_space<hbm>>
        tpu.enqueue_dma source(%dma_start3A_19 : memref<128xi32, #tpu.memory_space<hbm>>) target(%arg6 : memref<128xi32, #tpu.memory_space<vmem>>) target_semaphore(%run_scoped3A : memref<!tpu.dma_semaphore, #tpu.memory_space<semaphore_mem>>)
        %dma_wait3A = tpu.memref_slice %arg2[%add3A_18] : memref<323584xi32, #tpu.memory_space<hbm>> -> memref<128xi32, #tpu.memory_space<hbm>>
        %dma_wait3A_20 = tpu.memref_slice %arg2[%add3A_18] : memref<323584xi32, #tpu.memory_space<hbm>> -> memref<128xi32, #tpu.memory_space<hbm>>
        tpu.wait_dma2 semaphore(%run_scoped3A : memref<!tpu.dma_semaphore, #tpu.memory_space<semaphore_mem>>) src(%dma_wait3A_20 : memref<128xi32, #tpu.memory_space<hbm>>) dst(%arg6 : memref<128xi32, #tpu.memory_space<vmem>>)
        tpu.yield
      }) : () -> ()
      "tpu.region"() ({
        %run_scoped3A = tpu.sem_alloc : memref<!tpu.dma_semaphore, #tpu.memory_space<semaphore_mem>>
        %dma_start3A = arith.constant 0 : i32
        %dma_start3A_19 = tpu.memref_slice %arg8[%dma_start3A] : memref<10240xf32, #tpu.memory_space<vmem_shared>> -> memref<10240xf32, #tpu.memory_space<vmem_shared>>
        tpu.enqueue_indirect_dma source(%arg7 : memref<128xf32, #tpu.memory_space<vmem>>) target(%dma_start3A_19 : memref<10240xf32, #tpu.memory_space<vmem_shared>>) offsets(%arg6 : memref<128xi32, #tpu.memory_space<vmem>>) semaphore(%run_scoped3A : memref<!tpu.dma_semaphore, #tpu.memory_space<semaphore_mem>>) {add = true}
        %dma_wait3A = arith.constant 0 : i32
        %dma_wait3A_20 = tpu.memref_slice %arg8[%dma_wait3A] : memref<10240xf32, #tpu.memory_space<vmem_shared>> -> memref<10240xf32, #tpu.memory_space<vmem_shared>>
        tpu.wait_indirect_dma semaphore(%run_scoped3A : memref<!tpu.dma_semaphore, #tpu.memory_space<semaphore_mem>>) src(%arg7 : memref<128xf32, #tpu.memory_space<vmem>>) dst(%dma_wait3A_20 : memref<10240xf32, #tpu.memory_space<vmem_shared>>)
        tpu.yield
      }) : () -> ()
    }
    %scan3A_7 = arith.constant 79 : i32
    %barrier3A_8 = arith.constant 0 : index
    tpu.barrier barrier_id(%barrier3A_8)
    %mul3A_9 = arith.constant 640 : i32
    %mul3A_10 = arith.muli %arg1, %mul3A_9 : i32
    %mul3A_11 = arith.constant 640 : i32
    %mul3A_12 = arith.muli %arg1, %mul3A_11 : i32
    "tpu.region"() ({
      %run_scoped3A = tpu.sem_alloc : memref<!tpu.dma_semaphore, #tpu.memory_space<semaphore_mem>>
      %dma_start3A = tpu.memref_slice %arg5[%arg0, %mul3A_12] : memref<2x10240xf32, #tpu.memory_space<hbm>> -> memref<1x640xf32, #tpu.memory_space<hbm>>
      %dma_start3A_13 = tpu.memref_squeeze %dma_start3A : memref<1x640xf32, #tpu.memory_space<hbm>> -> memref<640xf32, #tpu.memory_space<hbm>>
      %dma_start3A_14 = tpu.memref_slice %arg8[%mul3A_10] : memref<10240xf32, #tpu.memory_space<vmem_shared>> -> memref<640xf32, #tpu.memory_space<vmem_shared>>
      tpu.enqueue_dma source(%dma_start3A_14 : memref<640xf32, #tpu.memory_space<vmem_shared>>) target(%dma_start3A_13 : memref<640xf32, #tpu.memory_space<hbm>>) target_semaphore(%run_scoped3A : memref<!tpu.dma_semaphore, #tpu.memory_space<semaphore_mem>>)
      %dma_wait3A = tpu.memref_slice %arg5[%arg0, %mul3A_12] : memref<2x10240xf32, #tpu.memory_space<hbm>> -> memref<1x640xf32, #tpu.memory_space<hbm>>
      %dma_wait3A_15 = tpu.memref_squeeze %dma_wait3A : memref<1x640xf32, #tpu.memory_space<hbm>> -> memref<640xf32, #tpu.memory_space<hbm>>
      %dma_wait3A_16 = tpu.memref_slice %arg8[%mul3A_10] : memref<10240xf32, #tpu.memory_space<vmem_shared>> -> memref<640xf32, #tpu.memory_space<vmem_shared>>
      tpu.wait_dma2 semaphore(%run_scoped3A : memref<!tpu.dma_semaphore, #tpu.memory_space<semaphore_mem>>) src(%dma_wait3A_16 : memref<640xf32, #tpu.memory_space<vmem_shared>>) dst(%dma_wait3A_15 : memref<640xf32, #tpu.memory_space<hbm>>)
      tpu.yield
    }) : () -> ()
    return
  }
}

#map = affine_map<(d0, d1) -> (0, 0)>
#map1 = affine_map<(d0, d1) -> (0)>
#map2 = affine_map<(d0, d1) -> (0, 0, 0)>
module attributes {stable_mosaic.version = 14 : i64} {
  func.func @_sc_agg(%arg0: i32, %arg1: i32, %arg2: memref<10000x128xf32, #tpu.memory_space<hbm>>, %arg3: memref<323584xi32, #tpu.memory_space<hbm>>, %arg4: memref<323584xi32, #tpu.memory_space<hbm>>, %arg5: memref<640x128xf32, #tpu.memory_space<hbm>>, %arg6: memref<2x10240x128xf32, #tpu.memory_space<hbm>>, %arg7: memref<128xi32, #tpu.memory_space<vmem>>, %arg8: memref<128xi32, #tpu.memory_space<vmem>>, %arg9: memref<128x128xf32, #tpu.memory_space<vmem>>, %arg10: memref<10240x128xf32, #tpu.memory_space<vmem_shared>>, %arg11: memref<!tpu.dma_semaphore, #tpu.memory_space<semaphore_mem>>) attributes {dimension_semantics = [#tpu.dimension_semantics<core_parallel>, #tpu.dimension_semantics<subcore_parallel>], iteration_bounds = array<i64: 2, 16>, scalar_prefetch = 0 : i64, scratch_operands = 5 : i64, tpu.core_type = #tpu.core_type<sc_vector_subcore>, window_params = [{transform_indices = #map}, {transform_indices = #map1}, {transform_indices = #map1}, {transform_indices = #map}, {transform_indices = #map2}]} {
    %mul3A = arith.constant 16 : i32
    %mul3A_0 = arith.muli %arg0, %mul3A : i32
    %add3A = arith.addi %mul3A_0, %arg1 : i32
    %mul3A_1 = arith.constant 640 : i32
    %mul3A_2 = arith.muli %arg1, %mul3A_1 : i32
    "tpu.region"() ({
      %run_scoped3A = tpu.sem_alloc : memref<!tpu.dma_semaphore, #tpu.memory_space<semaphore_mem>>
      %dma_start3A = arith.constant 0 : i32
      %dma_start3A_13 = tpu.memref_slice %arg10[%mul3A_2, %dma_start3A] : memref<10240x128xf32, #tpu.memory_space<vmem_shared>> -> memref<640x128xf32, #tpu.memory_space<vmem_shared>>
      tpu.enqueue_dma source(%arg5 : memref<640x128xf32, #tpu.memory_space<hbm>>) target(%dma_start3A_13 : memref<640x128xf32, #tpu.memory_space<vmem_shared>>) target_semaphore(%run_scoped3A : memref<!tpu.dma_semaphore, #tpu.memory_space<semaphore_mem>>)
      %dma_wait3A = arith.constant 0 : i32
      %dma_wait3A_14 = tpu.memref_slice %arg10[%mul3A_2, %dma_wait3A] : memref<10240x128xf32, #tpu.memory_space<vmem_shared>> -> memref<640x128xf32, #tpu.memory_space<vmem_shared>>
      tpu.wait_dma2 semaphore(%run_scoped3A : memref<!tpu.dma_semaphore, #tpu.memory_space<semaphore_mem>>) src(%arg5 : memref<640x128xf32, #tpu.memory_space<hbm>>) dst(%dma_wait3A_14 : memref<640x128xf32, #tpu.memory_space<vmem_shared>>)
      tpu.yield
    }) : () -> ()
    %barrier3A = arith.constant 0 : index
    tpu.barrier barrier_id(%barrier3A)
    %scan3A = arith.constant 0 : i32
    %scan3A_3 = arith.constant 0 : i32
    %scan3A_4 = arith.constant 79 : i32
    %scan3A_5 = arith.addi %scan3A_3, %scan3A_4 : i32
    %scan3A_6 = arith.constant 1 : i32
    scf.for %scan3A_13 = %scan3A_3 to %scan3A_5 step %scan3A_6  : i32 {
      %mul3A_14 = arith.constant 10112 : i32
      %mul3A_15 = arith.muli %add3A, %mul3A_14 : i32
      %mul3A_16 = arith.constant 128 : i32
      %mul3A_17 = arith.muli %scan3A_13, %mul3A_16 : i32
      %add3A_18 = arith.addi %mul3A_15, %mul3A_17 : i32
      "tpu.region"() ({
        %run_scoped3A = tpu.sem_alloc : memref<!tpu.dma_semaphore, #tpu.memory_space<semaphore_mem>>
        %dma_start3A_23 = tpu.memref_slice %arg3[%add3A_18] : memref<323584xi32, #tpu.memory_space<hbm>> -> memref<128xi32, #tpu.memory_space<hbm>>
        %dma_start3A_24 = tpu.memref_slice %arg3[%add3A_18] : memref<323584xi32, #tpu.memory_space<hbm>> -> memref<128xi32, #tpu.memory_space<hbm>>
        tpu.enqueue_dma source(%dma_start3A_24 : memref<128xi32, #tpu.memory_space<hbm>>) target(%arg7 : memref<128xi32, #tpu.memory_space<vmem>>) target_semaphore(%run_scoped3A : memref<!tpu.dma_semaphore, #tpu.memory_space<semaphore_mem>>)
        %dma_wait3A_25 = tpu.memref_slice %arg3[%add3A_18] : memref<323584xi32, #tpu.memory_space<hbm>> -> memref<128xi32, #tpu.memory_space<hbm>>
        %dma_wait3A_26 = tpu.memref_slice %arg3[%add3A_18] : memref<323584xi32, #tpu.memory_space<hbm>> -> memref<128xi32, #tpu.memory_space<hbm>>
        tpu.wait_dma2 semaphore(%run_scoped3A : memref<!tpu.dma_semaphore, #tpu.memory_space<semaphore_mem>>) src(%dma_wait3A_26 : memref<128xi32, #tpu.memory_space<hbm>>) dst(%arg7 : memref<128xi32, #tpu.memory_space<vmem>>)
        tpu.yield
      }) : () -> ()
      "tpu.region"() ({
        %run_scoped3A = tpu.sem_alloc : memref<!tpu.dma_semaphore, #tpu.memory_space<semaphore_mem>>
        %dma_start3A_23 = tpu.memref_slice %arg4[%add3A_18] : memref<323584xi32, #tpu.memory_space<hbm>> -> memref<128xi32, #tpu.memory_space<hbm>>
        %dma_start3A_24 = tpu.memref_slice %arg4[%add3A_18] : memref<323584xi32, #tpu.memory_space<hbm>> -> memref<128xi32, #tpu.memory_space<hbm>>
        tpu.enqueue_dma source(%dma_start3A_24 : memref<128xi32, #tpu.memory_space<hbm>>) target(%arg8 : memref<128xi32, #tpu.memory_space<vmem>>) target_semaphore(%run_scoped3A : memref<!tpu.dma_semaphore, #tpu.memory_space<semaphore_mem>>)
        %dma_wait3A_25 = tpu.memref_slice %arg4[%add3A_18] : memref<323584xi32, #tpu.memory_space<hbm>> -> memref<128xi32, #tpu.memory_space<hbm>>
        %dma_wait3A_26 = tpu.memref_slice %arg4[%add3A_18] : memref<323584xi32, #tpu.memory_space<hbm>> -> memref<128xi32, #tpu.memory_space<hbm>>
        tpu.wait_dma2 semaphore(%run_scoped3A : memref<!tpu.dma_semaphore, #tpu.memory_space<semaphore_mem>>) src(%dma_wait3A_26 : memref<128xi32, #tpu.memory_space<hbm>>) dst(%arg8 : memref<128xi32, #tpu.memory_space<vmem>>)
        tpu.yield
      }) : () -> ()
      %dma_start3A = arith.constant 0 : i32
      %dma_start3A_19 = arith.constant 0 : i32
      %dma_start3A_20 = tpu.memref_slice %arg2[%dma_start3A, %dma_start3A_19] : memref<10000x128xf32, #tpu.memory_space<hbm>> -> memref<10000x128xf32, #tpu.memory_space<hbm>>
      tpu.enqueue_indirect_dma source(%dma_start3A_20 : memref<10000x128xf32, #tpu.memory_space<hbm>>) target(%arg9 : memref<128x128xf32, #tpu.memory_space<vmem>>) offsets(%arg7 : memref<128xi32, #tpu.memory_space<vmem>>) semaphore(%arg11 : memref<!tpu.dma_semaphore, #tpu.memory_space<semaphore_mem>>)
      %dma_wait3A = arith.constant 0 : i32
      %dma_wait3A_21 = arith.constant 0 : i32
      %dma_wait3A_22 = tpu.memref_slice %arg2[%dma_wait3A, %dma_wait3A_21] : memref<10000x128xf32, #tpu.memory_space<hbm>> -> memref<10000x128xf32, #tpu.memory_space<hbm>>
      tpu.wait_indirect_dma semaphore(%arg11 : memref<!tpu.dma_semaphore, #tpu.memory_space<semaphore_mem>>) src(%dma_wait3A_22 : memref<10000x128xf32, #tpu.memory_space<hbm>>) dst(%arg9 : memref<128x128xf32, #tpu.memory_space<vmem>>)
      "tpu.region"() ({
        %run_scoped3A = tpu.sem_alloc : memref<!tpu.dma_semaphore, #tpu.memory_space<semaphore_mem>>
        %dma_start3A_23 = arith.constant 0 : i32
        %dma_start3A_24 = arith.constant 0 : i32
        %dma_start3A_25 = tpu.memref_slice %arg10[%dma_start3A_23, %dma_start3A_24] : memref<10240x128xf32, #tpu.memory_space<vmem_shared>> -> memref<10240x128xf32, #tpu.memory_space<vmem_shared>>
        tpu.enqueue_indirect_dma source(%arg9 : memref<128x128xf32, #tpu.memory_space<vmem>>) target(%dma_start3A_25 : memref<10240x128xf32, #tpu.memory_space<vmem_shared>>) offsets(%arg8 : memref<128xi32, #tpu.memory_space<vmem>>) semaphore(%run_scoped3A : memref<!tpu.dma_semaphore, #tpu.memory_space<semaphore_mem>>) {add = true}
        %dma_wait3A_26 = arith.constant 0 : i32
        %dma_wait3A_27 = arith.constant 0 : i32
        %dma_wait3A_28 = tpu.memref_slice %arg10[%dma_wait3A_26, %dma_wait3A_27] : memref<10240x128xf32, #tpu.memory_space<vmem_shared>> -> memref<10240x128xf32, #tpu.memory_space<vmem_shared>>
        tpu.wait_indirect_dma semaphore(%run_scoped3A : memref<!tpu.dma_semaphore, #tpu.memory_space<semaphore_mem>>) src(%arg9 : memref<128x128xf32, #tpu.memory_space<vmem>>) dst(%dma_wait3A_28 : memref<10240x128xf32, #tpu.memory_space<vmem_shared>>)
        tpu.yield
      }) : () -> ()
    }
    %scan3A_7 = arith.constant 79 : i32
    %barrier3A_8 = arith.constant 0 : index
    tpu.barrier barrier_id(%barrier3A_8)
    %mul3A_9 = arith.constant 640 : i32
    %mul3A_10 = arith.muli %arg1, %mul3A_9 : i32
    %mul3A_11 = arith.constant 640 : i32
    %mul3A_12 = arith.muli %arg1, %mul3A_11 : i32
    "tpu.region"() ({
      %run_scoped3A = tpu.sem_alloc : memref<!tpu.dma_semaphore, #tpu.memory_space<semaphore_mem>>
      %dma_start3A = arith.constant 0 : i32
      %dma_start3A_13 = tpu.memref_slice %arg6[%arg0, %mul3A_12, %dma_start3A] : memref<2x10240x128xf32, #tpu.memory_space<hbm>> -> memref<1x640x128xf32, #tpu.memory_space<hbm>>
      %dma_start3A_14 = tpu.memref_squeeze %dma_start3A_13 : memref<1x640x128xf32, #tpu.memory_space<hbm>> -> memref<640x128xf32, #tpu.memory_space<hbm>>
      %dma_start3A_15 = arith.constant 0 : i32
      %dma_start3A_16 = tpu.memref_slice %arg10[%mul3A_10, %dma_start3A_15] : memref<10240x128xf32, #tpu.memory_space<vmem_shared>> -> memref<640x128xf32, #tpu.memory_space<vmem_shared>>
      tpu.enqueue_dma source(%dma_start3A_16 : memref<640x128xf32, #tpu.memory_space<vmem_shared>>) target(%dma_start3A_14 : memref<640x128xf32, #tpu.memory_space<hbm>>) target_semaphore(%run_scoped3A : memref<!tpu.dma_semaphore, #tpu.memory_space<semaphore_mem>>)
      %dma_wait3A = arith.constant 0 : i32
      %dma_wait3A_17 = tpu.memref_slice %arg6[%arg0, %mul3A_12, %dma_wait3A] : memref<2x10240x128xf32, #tpu.memory_space<hbm>> -> memref<1x640x128xf32, #tpu.memory_space<hbm>>
      %dma_wait3A_18 = tpu.memref_squeeze %dma_wait3A_17 : memref<1x640x128xf32, #tpu.memory_space<hbm>> -> memref<640x128xf32, #tpu.memory_space<hbm>>
      %dma_wait3A_19 = arith.constant 0 : i32
      %dma_wait3A_20 = tpu.memref_slice %arg10[%mul3A_10, %dma_wait3A_19] : memref<10240x128xf32, #tpu.memory_space<vmem_shared>> -> memref<640x128xf32, #tpu.memory_space<vmem_shared>>
      tpu.wait_dma2 semaphore(%run_scoped3A : memref<!tpu.dma_semaphore, #tpu.memory_space<semaphore_mem>>) src(%dma_wait3A_20 : memref<640x128xf32, #tpu.memory_space<vmem_shared>>) dst(%dma_wait3A_18 : memref<640x128xf32, #tpu.memory_space<hbm>>)
      tpu.yield
    }) : () -> ()
    return
  }
}

module attributes {stable_mosaic.version = 14 : i64} {
  func.func @_mm1_body(%arg0: i32, %arg1: memref<1000x128xf32, #tpu.memory_space<vmem>>, %arg2: memref<128x64xf32, #tpu.memory_space<vmem>>, %arg3: memref<2x1000x1xf32, #tpu.memory_space<vmem>>, %arg4: memref<1000x128xf32, #tpu.memory_space<vmem>>, %arg5: memref<1000x1xf32, #tpu.memory_space<vmem>>) attributes {dimension_semantics = [#tpu.dimension_semantics<arbitrary>], iteration_bounds = array<i64: 10>, scalar_prefetch = 0 : i64, scratch_operands = 0 : i64, tpu.core_type = #tpu.core_type<tc>, window_params = [{transform_indices = @transform_0, window_bounds = array<i64: 1000, 128>}, {pipeline_mode = #tpu.pipeline_mode<synchronous>, transform_indices = @transform_1, window_bounds = array<i64: 128, 64>}, {transform_indices = @transform_2, window_bounds = array<i64: 2, 1000, 1>}, {transform_indices = @transform_3, window_bounds = array<i64: 1000, 128>}, {transform_indices = @transform_4, window_bounds = array<i64: 1000, 1>}]} {
    %get3A = arith.constant 0 : index
    %get3A_0 = arith.constant 0 : index
    %get3A_1 = arith.constant 0 : index
    %get3A_2 = vector.load %arg3[%get3A, %get3A_0, %get3A_1] : memref<2x1000x1xf32, #tpu.memory_space<vmem>>, vector<1x1000x1xf32>
    %get3A_3 = vector.shape_cast %get3A_2 : vector<1x1000x1xf32> to vector<1000x1xf32>
    %get3A_4 = arith.constant 1 : index
    %get3A_5 = arith.constant 0 : index
    %get3A_6 = arith.constant 0 : index
    %get3A_7 = vector.load %arg3[%get3A_4, %get3A_5, %get3A_6] : memref<2x1000x1xf32, #tpu.memory_space<vmem>>, vector<1x1000x1xf32>
    %get3A_8 = vector.shape_cast %get3A_7 : vector<1x1000x1xf32> to vector<1000x1xf32>
    %add3A = arith.addf %get3A_3, %get3A_8 : vector<1000x1xf32>
    %add3A_9 = arith.constant 1.000000e+00 : f32
    %add3A_10 = vector.broadcast %add3A_9 : f32 to vector<1000x1xf32>
    %add3A_11 = arith.addf %add3A, %add3A_10 : vector<1000x1xf32>
    %rsqrt3A = math.rsqrt %add3A_11 : vector<1000x1xf32>
    %swap3A = arith.constant 0 : index
    %swap3A_12 = arith.constant 0 : index
    %swap3A_13 = vector.load %arg5[%swap3A, %swap3A_12] : memref<1000x1xf32, #tpu.memory_space<vmem>>, vector<1000x1xf32>
    tpu.vector_store %arg5[%swap3A, %swap3A_12], %rsqrt3A {strides = array<i32>} : memref<1000x1xf32, #tpu.memory_space<vmem>>, vector<1000x1xf32>,
    %get3A_14 = arith.constant 0 : index
    %get3A_15 = arith.constant 0 : index
    %get3A_16 = vector.load %arg1[%get3A_14, %get3A_15] : memref<1000x128xf32, #tpu.memory_space<vmem>>, vector<1000x128xf32>
    %get3A_17 = arith.constant 0 : index
    %get3A_18 = arith.constant 0 : index
    %get3A_19 = vector.load %arg2[%get3A_17, %get3A_18] : memref<128x64xf32, #tpu.memory_space<vmem>>, vector<128x64xf32>
    %dot_general3A = arith.constant dense<0.000000e+00> : vector<1000x64xf32>
    %dot_general3A_20 = tpu.matmul %get3A_16, %get3A_19, %dot_general3A {dimension_numbers = #tpu.dot_dimension_numbers<[1], [0], [0], [1], [0, 0, 1, 1], [], []>, transpose_lhs_hint = false} : vector<1000x128xf32>, vector<128x64xf32>, vector<1000x64xf32> -> vector<1000x64xf32>
    %mul3A = vector.broadcast %rsqrt3A : vector<1000x1xf32> to vector<1000x64xf32>
    %mul3A_21 = arith.mulf %mul3A, %dot_general3A_20 : vector<1000x64xf32>
    %broadcast_in_dim3A = arith.constant 0.000000e+00 : f32
    %broadcast_in_dim3A_22 = vector.broadcast %broadcast_in_dim3A : f32 to vector<1000x64xf32>
    %concatenate3A = tpu.concatenate %mul3A_21, %broadcast_in_dim3A_22 in 1 : vector<1000x64xf32>, vector<1000x64xf32> -> vector<1000x128xf32>
    %swap3A_23 = arith.constant 0 : index
    %swap3A_24 = arith.constant 0 : index
    %swap3A_25 = vector.load %arg4[%swap3A_23, %swap3A_24] : memref<1000x128xf32, #tpu.memory_space<vmem>>, vector<1000x128xf32>
    tpu.vector_store %arg4[%swap3A_23, %swap3A_24], %concatenate3A {strides = array<i32>} : memref<1000x128xf32, #tpu.memory_space<vmem>>, vector<1000x128xf32>,
    return
  }
  func.func @transform_0(%arg0: i32) -> (i32, i32) {
    %c0_i32 = arith.constant 0 : i32
    %c0_i32_0 = arith.constant 0 : i32
    return %arg0, %c0_i32 : i32, i32
  }
  func.func @transform_1(%arg0: i32) -> (i32, i32) {
    %c0_i32 = arith.constant 0 : i32
    %c0_i32_0 = arith.constant 0 : i32
    %c0_i32_1 = arith.constant 0 : i32
    return %c0_i32, %c0_i32_0 : i32, i32
  }
  func.func @transform_2(%arg0: i32) -> (i32, i32, i32) {
    %c0_i32 = arith.constant 0 : i32
    %c0_i32_0 = arith.constant 0 : i32
    %c0_i32_1 = arith.constant 0 : i32
    return %c0_i32, %arg0, %c0_i32_0 : i32, i32, i32
  }
  func.func @transform_3(%arg0: i32) -> (i32, i32) {
    %c0_i32 = arith.constant 0 : i32
    %c0_i32_0 = arith.constant 0 : i32
    return %arg0, %c0_i32 : i32, i32
  }
  func.func @transform_4(%arg0: i32) -> (i32, i32) {
    %c0_i32 = arith.constant 0 : i32
    %c0_i32_0 = arith.constant 0 : i32
    return %arg0, %c0_i32 : i32, i32
  }
}

module attributes {stable_mosaic.version = 14 : i64} {
  func.func @_zstat_body(%arg0: i32, %arg1: memref<2x1000x128xf32, #tpu.memory_space<vmem>>, %arg2: memref<1000x128xf32, #tpu.memory_space<vmem>>, %arg3: memref<1000x1xf32, #tpu.memory_space<vmem>>, %arg4: memref<1x64xf32, #tpu.memory_space<vmem>>, %arg5: memref<1000x64xf32, #tpu.memory_space<vmem>>, %arg6: memref<2x64xf32, #tpu.memory_space<vmem>>) attributes {dimension_semantics = [#tpu.dimension_semantics<arbitrary>], iteration_bounds = array<i64: 10>, scalar_prefetch = 0 : i64, scratch_operands = 0 : i64, tpu.core_type = #tpu.core_type<tc>, window_params = [{transform_indices = @transform_0, window_bounds = array<i64: 2, 1000, 128>}, {transform_indices = @transform_1, window_bounds = array<i64: 1000, 128>}, {transform_indices = @transform_2, window_bounds = array<i64: 1000, 1>}, {pipeline_mode = #tpu.pipeline_mode<synchronous>, transform_indices = @transform_3, window_bounds = array<i64: 1, 64>}, {transform_indices = @transform_4, window_bounds = array<i64: 1000, 64>}, {pipeline_mode = #tpu.pipeline_mode<synchronous>, transform_indices = @transform_5, window_bounds = array<i64: 2, 64>}]} {
    %get3A = arith.constant 0 : index
    %get3A_0 = arith.constant 0 : index
    %get3A_1 = arith.constant 0 : index
    %get3A_2 = vector.load %arg1[%get3A, %get3A_0, %get3A_1] : memref<2x1000x128xf32, #tpu.memory_space<vmem>>, vector<1x1000x128xf32>
    %get3A_3 = vector.shape_cast %get3A_2 : vector<1x1000x128xf32> to vector<1000x128xf32>
    %get3A_4 = arith.constant 1 : index
    %get3A_5 = arith.constant 0 : index
    %get3A_6 = arith.constant 0 : index
    %get3A_7 = vector.load %arg1[%get3A_4, %get3A_5, %get3A_6] : memref<2x1000x128xf32, #tpu.memory_space<vmem>>, vector<1x1000x128xf32>
    %get3A_8 = vector.shape_cast %get3A_7 : vector<1x1000x128xf32> to vector<1000x128xf32>
    %add3A = arith.addf %get3A_3, %get3A_8 : vector<1000x128xf32>
    %get3A_9 = arith.constant 0 : index
    %get3A_10 = arith.constant 0 : index
    %get3A_11 = vector.load %arg2[%get3A_9, %get3A_10] : memref<1000x128xf32, #tpu.memory_space<vmem>>, vector<1000x128xf32>
    %add3A_12 = arith.addf %add3A, %get3A_11 : vector<1000x128xf32>
    %get3A_13 = arith.constant 0 : index
    %get3A_14 = arith.constant 0 : index
    %get3A_15 = vector.load %arg3[%get3A_13, %get3A_14] : memref<1000x1xf32, #tpu.memory_space<vmem>>, vector<1000x1xf32>
    %slice3A = vector.extract_strided_slice %add3A_12 {offsets = [0, 0], sizes = [1000, 64], strides = [1, 1]} : vector<1000x128xf32> to vector<1000x64xf32>
    %mul3A = vector.broadcast %get3A_15 : vector<1000x1xf32> to vector<1000x64xf32>
    %mul3A_16 = arith.mulf %mul3A, %slice3A : vector<1000x64xf32>
    %get3A_17 = arith.constant 0 : index
    %get3A_18 = arith.constant 0 : index
    %get3A_19 = vector.load %arg4[%get3A_17, %get3A_18] : memref<1x64xf32, #tpu.memory_space<vmem>>, vector<1x64xf32>
    %add3A_20 = vector.broadcast %get3A_19 : vector<1x64xf32> to vector<1000x64xf32>
    %add3A_21 = arith.addf %mul3A_16, %add3A_20 : vector<1000x64xf32>
    %swap3A = arith.constant 0 : index
    %swap3A_22 = arith.constant 0 : index
    %swap3A_23 = vector.load %arg5[%swap3A, %swap3A_22] : memref<1000x64xf32, #tpu.memory_space<vmem>>, vector<1000x64xf32>
    tpu.vector_store %arg5[%swap3A, %swap3A_22], %add3A_21 {strides = array<i32>} : memref<1000x64xf32, #tpu.memory_space<vmem>>, vector<1000x64xf32>,
    %reduce_sum3A = arith.constant dense<0.000000e+00> : vector<64xf32>
    %reduce_sum3A_24 = vector.multi_reduction <add>, %add3A_21, %reduce_sum3A [0] : vector<1000x64xf32> to vector<64xf32>
    %broadcast_in_dim3A = vector.shape_cast %reduce_sum3A_24 : vector<64xf32> to vector<1x64xf32>
    %mul3A_25 = arith.mulf %add3A_21, %add3A_21 : vector<1000x64xf32>
    %reduce_sum3A_26 = arith.constant dense<0.000000e+00> : vector<64xf32>
    %reduce_sum3A_27 = vector.multi_reduction <add>, %mul3A_25, %reduce_sum3A_26 [0] : vector<1000x64xf32> to vector<64xf32>
    %broadcast_in_dim3A_28 = vector.shape_cast %reduce_sum3A_27 : vector<64xf32> to vector<1x64xf32>
    %concatenate3A = tpu.concatenate %broadcast_in_dim3A, %broadcast_in_dim3A_28 in 0 : vector<1x64xf32>, vector<1x64xf32> -> vector<2x64xf32>
    %eq3A = arith.constant 0 : i32
    %eq3A_29 = arith.cmpi eq, %arg0, %eq3A : i32
    %convert_element_type3A = arith.extui %eq3A_29 : i1 to i32
    %cond3A = arith.constant 0 : i32
    %cond3A_30 = arith.cmpi ne, %convert_element_type3A, %cond3A : i32
    scf.if %cond3A_30 {
      %swap3A_35 = arith.constant 0 : index
      %swap3A_36 = arith.constant 0 : index
      %swap3A_37 = vector.load %arg6[%swap3A_35, %swap3A_36] : memref<2x64xf32, #tpu.memory_space<vmem>>, vector<2x64xf32>
      tpu.vector_store %arg6[%swap3A_35, %swap3A_36], %concatenate3A {strides = array<i32>} : memref<2x64xf32, #tpu.memory_space<vmem>>, vector<2x64xf32>,
    } else {
    }
    %gt3A = arith.constant 0 : i32
    %gt3A_31 = arith.cmpi sgt, %arg0, %gt3A : i32
    %convert_element_type3A_32 = arith.extui %gt3A_31 : i1 to i32
    %cond3A_33 = arith.constant 0 : i32
    %cond3A_34 = arith.cmpi ne, %convert_element_type3A_32, %cond3A_33 : i32
    scf.if %cond3A_34 {
      %get3A_35 = arith.constant 0 : index
      %get3A_36 = arith.constant 0 : index
      %get3A_37 = vector.load %arg6[%get3A_35, %get3A_36] : memref<2x64xf32, #tpu.memory_space<vmem>>, vector<2x64xf32>
      %add3A_38 = arith.addf %get3A_37, %concatenate3A : vector<2x64xf32>
      %swap3A_39 = arith.constant 0 : index
      %swap3A_40 = arith.constant 0 : index
      %swap3A_41 = vector.load %arg6[%swap3A_39, %swap3A_40] : memref<2x64xf32, #tpu.memory_space<vmem>>, vector<2x64xf32>
      tpu.vector_store %arg6[%swap3A_39, %swap3A_40], %add3A_38 {strides = array<i32>} : memref<2x64xf32, #tpu.memory_space<vmem>>, vector<2x64xf32>,
    } else {
    }
    return
  }
  func.func @transform_0(%arg0: i32) -> (i32, i32, i32) {
    %c0_i32 = arith.constant 0 : i32
    %c0_i32_0 = arith.constant 0 : i32
    %c0_i32_1 = arith.constant 0 : i32
    return %c0_i32, %arg0, %c0_i32_0 : i32, i32, i32
  }
  func.func @transform_1(%arg0: i32) -> (i32, i32) {
    %c0_i32 = arith.constant 0 : i32
    %c0_i32_0 = arith.constant 0 : i32
    return %arg0, %c0_i32 : i32, i32
  }
  func.func @transform_2(%arg0: i32) -> (i32, i32) {
    %c0_i32 = arith.constant 0 : i32
    %c0_i32_0 = arith.constant 0 : i32
    return %arg0, %c0_i32 : i32, i32
  }
  func.func @transform_3(%arg0: i32) -> (i32, i32) {
    %c0_i32 = arith.constant 0 : i32
    %c0_i32_0 = arith.constant 0 : i32
    %c0_i32_1 = arith.constant 0 : i32
    return %c0_i32, %c0_i32_0 : i32, i32
  }
  func.func @transform_4(%arg0: i32) -> (i32, i32) {
    %c0_i32 = arith.constant 0 : i32
    %c0_i32_0 = arith.constant 0 : i32
    return %arg0, %c0_i32 : i32, i32
  }
  func.func @transform_5(%arg0: i32) -> (i32, i32) {
    %c0_i32 = arith.constant 0 : i32
    %c0_i32_0 = arith.constant 0 : i32
    %c0_i32_1 = arith.constant 0 : i32
    return %c0_i32, %c0_i32_0 : i32, i32
  }
}

module attributes {stable_mosaic.version = 14 : i64} {
  func.func @_bnmm_body(%arg0: i32, %arg1: memref<1000x64xf32, #tpu.memory_space<vmem>>, %arg2: memref<2x64xf32, #tpu.memory_space<vmem>>, %arg3: memref<1x64xf32, #tpu.memory_space<vmem>>, %arg4: memref<1x64xf32, #tpu.memory_space<vmem>>, %arg5: memref<64x64xf32, #tpu.memory_space<vmem>>, %arg6: memref<1000x1xf32, #tpu.memory_space<vmem>>, %arg7: memref<1000x128xf32, #tpu.memory_space<vmem>>) attributes {dimension_semantics = [#tpu.dimension_semantics<arbitrary>], iteration_bounds = array<i64: 10>, scalar_prefetch = 0 : i64, scratch_operands = 0 : i64, tpu.core_type = #tpu.core_type<tc>, window_params = [{transform_indices = @transform_0, window_bounds = array<i64: 1000, 64>}, {pipeline_mode = #tpu.pipeline_mode<synchronous>, transform_indices = @transform_1, window_bounds = array<i64: 2, 64>}, {pipeline_mode = #tpu.pipeline_mode<synchronous>, transform_indices = @transform_2, window_bounds = array<i64: 1, 64>}, {pipeline_mode = #tpu.pipeline_mode<synchronous>, transform_indices = @transform_3, window_bounds = array<i64: 1, 64>}, {pipeline_mode = #tpu.pipeline_mode<synchronous>, transform_indices = @transform_4, window_bounds = array<i64: 64, 64>}, {transform_indices = @transform_5, window_bounds = array<i64: 1000, 1>}, {transform_indices = @transform_6, window_bounds = array<i64: 1000, 128>}]} {
    %get3A = arith.constant 0 : index
    %get3A_0 = arith.constant 0 : index
    %get3A_1 = vector.load %arg2[%get3A, %get3A_0] : memref<2x64xf32, #tpu.memory_space<vmem>>, vector<1x64xf32>
    %div3A = arith.constant 1.000000e+04 : f32
    %div3A_2 = vector.broadcast %div3A : f32 to vector<1x64xf32>
    %div3A_3 = arith.divf %get3A_1, %div3A_2 : vector<1x64xf32>
    %get3A_4 = arith.constant 1 : index
    %get3A_5 = arith.constant 0 : index
    %get3A_6 = vector.load %arg2[%get3A_4, %get3A_5] : memref<2x64xf32, #tpu.memory_space<vmem>>, vector<1x64xf32>
    %div3A_7 = arith.constant 1.000000e+04 : f32
    %div3A_8 = vector.broadcast %div3A_7 : f32 to vector<1x64xf32>
    %div3A_9 = arith.divf %get3A_6, %div3A_8 : vector<1x64xf32>
    %mul3A = arith.mulf %div3A_3, %div3A_3 : vector<1x64xf32>
    %sub3A = arith.subf %div3A_9, %mul3A : vector<1x64xf32>
    %add3A = arith.constant 9.99999974E-6 : f32
    %add3A_10 = vector.broadcast %add3A : f32 to vector<1x64xf32>
    %add3A_11 = arith.addf %sub3A, %add3A_10 : vector<1x64xf32>
    %rsqrt3A = math.rsqrt %add3A_11 : vector<1x64xf32>
    %get3A_12 = arith.constant 0 : index
    %get3A_13 = arith.constant 0 : index
    %get3A_14 = vector.load %arg1[%get3A_12, %get3A_13] : memref<1000x64xf32, #tpu.memory_space<vmem>>, vector<1000x64xf32>
    %sub3A_15 = vector.broadcast %div3A_3 : vector<1x64xf32> to vector<1000x64xf32>
    %sub3A_16 = arith.subf %get3A_14, %sub3A_15 : vector<1000x64xf32>
    %get3A_17 = arith.constant 0 : index
    %get3A_18 = arith.constant 0 : index
    %get3A_19 = vector.load %arg3[%get3A_17, %get3A_18] : memref<1x64xf32, #tpu.memory_space<vmem>>, vector<1x64xf32>
    %mul3A_20 = arith.mulf %rsqrt3A, %get3A_19 : vector<1x64xf32>
    %mul3A_21 = vector.broadcast %mul3A_20 : vector<1x64xf32> to vector<1000x64xf32>
    %mul3A_22 = arith.mulf %sub3A_16, %mul3A_21 : vector<1000x64xf32>
    %get3A_23 = arith.constant 0 : index
    %get3A_24 = arith.constant 0 : index
    %get3A_25 = vector.load %arg4[%get3A_23, %get3A_24] : memref<1x64xf32, #tpu.memory_space<vmem>>, vector<1x64xf32>
    %add3A_26 = vector.broadcast %get3A_25 : vector<1x64xf32> to vector<1000x64xf32>
    %add3A_27 = arith.addf %mul3A_22, %add3A_26 : vector<1000x64xf32>
    %max3A = arith.constant 0.000000e+00 : f32
    %max3A_28 = vector.broadcast %max3A : f32 to vector<1000x64xf32>
    %max3A_29 = arith.maximumf %add3A_27, %max3A_28 : vector<1000x64xf32>
    %get3A_30 = arith.constant 0 : index
    %get3A_31 = arith.constant 0 : index
    %get3A_32 = vector.load %arg6[%get3A_30, %get3A_31] : memref<1000x1xf32, #tpu.memory_space<vmem>>, vector<1000x1xf32>
    %get3A_33 = arith.constant 0 : index
    %get3A_34 = arith.constant 0 : index
    %get3A_35 = vector.load %arg5[%get3A_33, %get3A_34] : memref<64x64xf32, #tpu.memory_space<vmem>>, vector<64x64xf32>
    %dot_general3A = arith.constant dense<0.000000e+00> : vector<1000x64xf32>
    %dot_general3A_36 = tpu.matmul %max3A_29, %get3A_35, %dot_general3A {dimension_numbers = #tpu.dot_dimension_numbers<[1], [0], [0], [1], [0, 0, 1, 1], [], []>, transpose_lhs_hint = false} : vector<1000x64xf32>, vector<64x64xf32>, vector<1000x64xf32> -> vector<1000x64xf32>
    %mul3A_37 = vector.broadcast %get3A_32 : vector<1000x1xf32> to vector<1000x64xf32>
    %mul3A_38 = arith.mulf %mul3A_37, %dot_general3A_36 : vector<1000x64xf32>
    %broadcast_in_dim3A = arith.constant 0.000000e+00 : f32
    %broadcast_in_dim3A_39 = vector.broadcast %broadcast_in_dim3A : f32 to vector<1000x64xf32>
    %concatenate3A = tpu.concatenate %mul3A_38, %broadcast_in_dim3A_39 in 1 : vector<1000x64xf32>, vector<1000x64xf32> -> vector<1000x128xf32>
    %swap3A = arith.constant 0 : index
    %swap3A_40 = arith.constant 0 : index
    %swap3A_41 = vector.load %arg7[%swap3A, %swap3A_40] : memref<1000x128xf32, #tpu.memory_space<vmem>>, vector<1000x128xf32>
    tpu.vector_store %arg7[%swap3A, %swap3A_40], %concatenate3A {strides = array<i32>} : memref<1000x128xf32, #tpu.memory_space<vmem>>, vector<1000x128xf32>,
    return
  }
  func.func @transform_0(%arg0: i32) -> (i32, i32) {
    %c0_i32 = arith.constant 0 : i32
    %c0_i32_0 = arith.constant 0 : i32
    return %arg0, %c0_i32 : i32, i32
  }
  func.func @transform_1(%arg0: i32) -> (i32, i32) {
    %c0_i32 = arith.constant 0 : i32
    %c0_i32_0 = arith.constant 0 : i32
    %c0_i32_1 = arith.constant 0 : i32
    return %c0_i32, %c0_i32_0 : i32, i32
  }
  func.func @transform_2(%arg0: i32) -> (i32, i32) {
    %c0_i32 = arith.constant 0 : i32
    %c0_i32_0 = arith.constant 0 : i32
    %c0_i32_1 = arith.constant 0 : i32
    return %c0_i32, %c0_i32_0 : i32, i32
  }
  func.func @transform_3(%arg0: i32) -> (i32, i32) {
    %c0_i32 = arith.constant 0 : i32
    %c0_i32_0 = arith.constant 0 : i32
    %c0_i32_1 = arith.constant 0 : i32
    return %c0_i32, %c0_i32_0 : i32, i32
  }
  func.func @transform_4(%arg0: i32) -> (i32, i32) {
    %c0_i32 = arith.constant 0 : i32
    %c0_i32_0 = arith.constant 0 : i32
    %c0_i32_1 = arith.constant 0 : i32
    return %c0_i32, %c0_i32_0 : i32, i32
  }
  func.func @transform_5(%arg0: i32) -> (i32, i32) {
    %c0_i32 = arith.constant 0 : i32
    %c0_i32_0 = arith.constant 0 : i32
    return %arg0, %c0_i32 : i32, i32
  }
  func.func @transform_6(%arg0: i32) -> (i32, i32) {
    %c0_i32 = arith.constant 0 : i32
    %c0_i32_0 = arith.constant 0 : i32
    return %arg0, %c0_i32 : i32, i32
  }
}

module attributes {stable_mosaic.version = 14 : i64} {
  func.func @_final_body(%arg0: i32, %arg1: memref<1000x64xf32, #tpu.memory_space<vmem>>, %arg2: memref<2x64xf32, #tpu.memory_space<vmem>>, %arg3: memref<1x64xf32, #tpu.memory_space<vmem>>, %arg4: memref<1x64xf32, #tpu.memory_space<vmem>>, %arg5: memref<1000x1xi32, #tpu.memory_space<vmem>>, %arg6: memref<64x2xf32, #tpu.memory_space<vmem>>, %arg7: memref<1x2xf32, #tpu.memory_space<vmem>>, %arg8: memref<1000x64xf32, #tpu.memory_space<vmem>>, %arg9: memref<64x64xf32, #tpu.memory_space<vmem>>, %arg10: memref<64x2xf32, #tpu.memory_space<vmem>>, %arg11: memref<64x64xf32, #tpu.memory_space<vmem>>) attributes {dimension_semantics = [#tpu.dimension_semantics<arbitrary>], iteration_bounds = array<i64: 10>, scalar_prefetch = 0 : i64, scratch_operands = 1 : i64, tpu.core_type = #tpu.core_type<tc>, window_params = [{transform_indices = @transform_0, window_bounds = array<i64: 1000, 64>}, {pipeline_mode = #tpu.pipeline_mode<synchronous>, transform_indices = @transform_1, window_bounds = array<i64: 2, 64>}, {pipeline_mode = #tpu.pipeline_mode<synchronous>, transform_indices = @transform_2, window_bounds = array<i64: 1, 64>}, {pipeline_mode = #tpu.pipeline_mode<synchronous>, transform_indices = @transform_3, window_bounds = array<i64: 1, 64>}, {transform_indices = @transform_4, window_bounds = array<i64: 1000, 1>}, {pipeline_mode = #tpu.pipeline_mode<synchronous>, transform_indices = @transform_5, window_bounds = array<i64: 64, 2>}, {pipeline_mode = #tpu.pipeline_mode<synchronous>, transform_indices = @transform_6, window_bounds = array<i64: 1, 2>}, {transform_indices = @transform_7, window_bounds = array<i64: 1000, 64>}, {pipeline_mode = #tpu.pipeline_mode<synchronous>, transform_indices = @transform_8, window_bounds = array<i64: 64, 64>}, {pipeline_mode = #tpu.pipeline_mode<synchronous>, transform_indices = @transform_9, window_bounds = array<i64: 64, 2>}]} {
    %get3A = arith.constant 0 : index
    %get3A_0 = arith.constant 0 : index
    %get3A_1 = vector.load %arg2[%get3A, %get3A_0] : memref<2x64xf32, #tpu.memory_space<vmem>>, vector<1x64xf32>
    %div3A = arith.constant 1.000000e+04 : f32
    %div3A_2 = vector.broadcast %div3A : f32 to vector<1x64xf32>
    %div3A_3 = arith.divf %get3A_1, %div3A_2 : vector<1x64xf32>
    %get3A_4 = arith.constant 1 : index
    %get3A_5 = arith.constant 0 : index
    %get3A_6 = vector.load %arg2[%get3A_4, %get3A_5] : memref<2x64xf32, #tpu.memory_space<vmem>>, vector<1x64xf32>
    %div3A_7 = arith.constant 1.000000e+04 : f32
    %div3A_8 = vector.broadcast %div3A_7 : f32 to vector<1x64xf32>
    %div3A_9 = arith.divf %get3A_6, %div3A_8 : vector<1x64xf32>
    %mul3A = arith.mulf %div3A_3, %div3A_3 : vector<1x64xf32>
    %sub3A = arith.subf %div3A_9, %mul3A : vector<1x64xf32>
    %add3A = arith.constant 9.99999974E-6 : f32
    %add3A_10 = vector.broadcast %add3A : f32 to vector<1x64xf32>
    %add3A_11 = arith.addf %sub3A, %add3A_10 : vector<1x64xf32>
    %rsqrt3A = math.rsqrt %add3A_11 : vector<1x64xf32>
    %get3A_12 = arith.constant 0 : index
    %get3A_13 = arith.constant 0 : index
    %get3A_14 = vector.load %arg1[%get3A_12, %get3A_13] : memref<1000x64xf32, #tpu.memory_space<vmem>>, vector<1000x64xf32>
    %sub3A_15 = vector.broadcast %div3A_3 : vector<1x64xf32> to vector<1000x64xf32>
    %sub3A_16 = arith.subf %get3A_14, %sub3A_15 : vector<1000x64xf32>
    %get3A_17 = arith.constant 0 : index
    %get3A_18 = arith.constant 0 : index
    %get3A_19 = vector.load %arg3[%get3A_17, %get3A_18] : memref<1x64xf32, #tpu.memory_space<vmem>>, vector<1x64xf32>
    %mul3A_20 = arith.mulf %rsqrt3A, %get3A_19 : vector<1x64xf32>
    %mul3A_21 = vector.broadcast %mul3A_20 : vector<1x64xf32> to vector<1000x64xf32>
    %mul3A_22 = arith.mulf %sub3A_16, %mul3A_21 : vector<1000x64xf32>
    %get3A_23 = arith.constant 0 : index
    %get3A_24 = arith.constant 0 : index
    %get3A_25 = vector.load %arg4[%get3A_23, %get3A_24] : memref<1x64xf32, #tpu.memory_space<vmem>>, vector<1x64xf32>
    %add3A_26 = vector.broadcast %get3A_25 : vector<1x64xf32> to vector<1000x64xf32>
    %add3A_27 = arith.addf %mul3A_22, %add3A_26 : vector<1000x64xf32>
    %max3A = arith.constant 0.000000e+00 : f32
    %max3A_28 = vector.broadcast %max3A : f32 to vector<1000x64xf32>
    %max3A_29 = arith.maximumf %add3A_27, %max3A_28 : vector<1000x64xf32>
    %swap3A = arith.constant 0 : index
    %swap3A_30 = arith.constant 0 : index
    %swap3A_31 = vector.load %arg8[%swap3A, %swap3A_30] : memref<1000x64xf32, #tpu.memory_space<vmem>>, vector<1000x64xf32>
    tpu.vector_store %arg8[%swap3A, %swap3A_30], %max3A_29 {strides = array<i32>} : memref<1000x64xf32, #tpu.memory_space<vmem>>, vector<1000x64xf32>,
    %get3A_32 = arith.constant 0 : index
    %get3A_33 = arith.constant 0 : index
    %get3A_34 = vector.load %arg5[%get3A_32, %get3A_33] : memref<1000x1xi32, #tpu.memory_space<vmem>>, vector<1000x1xi32>
    %eq3A = arith.constant 0 : i32
    %eq3A_35 = arith.cmpi eq, %arg0, %eq3A : i32
    %convert_element_type3A = arith.extui %eq3A_35 : i1 to i32
    %cond3A = arith.constant 0 : i32
    %cond3A_36 = arith.cmpi ne, %convert_element_type3A, %cond3A : i32
    scf.if %cond3A_36 {
      %broadcast_in_dim3A = arith.constant 0xFF800000 : f32
      %broadcast_in_dim3A_62 = vector.broadcast %broadcast_in_dim3A : f32 to vector<64x64xf32>
      %swap3A_63 = arith.constant 0 : index
      %swap3A_64 = arith.constant 0 : index
      %swap3A_65 = vector.load %arg11[%swap3A_63, %swap3A_64] : memref<64x64xf32, #tpu.memory_space<vmem>>, vector<64x64xf32>
      tpu.vector_store %arg11[%swap3A_63, %swap3A_64], %broadcast_in_dim3A_62 {strides = array<i32>} : memref<64x64xf32, #tpu.memory_space<vmem>>, vector<64x64xf32>,
    } else {
    }
    %scan3A = arith.constant 0 : i32
    %scan3A_37 = arith.constant 64 : i32
    %scan3A_38 = arith.addi %scan3A, %scan3A_37 : i32
    %scan3A_39 = arith.constant 1 : i32
    scf.for %scan3A_62 = %scan3A to %scan3A_38 step %scan3A_39  : i32 {
      %eq3A_63 = vector.broadcast %scan3A_62 : i32 to vector<1000x1xi32>
      %eq3A_64 = arith.cmpi eq, %get3A_34, %eq3A_63 : vector<1000x1xi32>
      %jit3A = arith.constant 0xFF800000 : f32
      %broadcast_in_dim3A = vector.shape_cast %eq3A_64 : vector<1000x1xi1> to vector<1000x1xi1>
      %broadcast_in_dim3A_65 = vector.broadcast %broadcast_in_dim3A : vector<1000x1xi1> to vector<1000x64xi1>
      %broadcast_in_dim3A_66 = vector.broadcast %jit3A : f32 to vector<1000x64xf32>
      %select_n3A = arith.select %broadcast_in_dim3A_65, %max3A_29, %broadcast_in_dim3A_66 : vector<1000x64xi1>, vector<1000x64xf32>
      %reduce_max3A = arith.constant dense<0xFF800000> : vector<64xf32>
      %reduce_max3A_67 = vector.multi_reduction <maximumf>, %select_n3A, %reduce_max3A [0] : vector<1000x64xf32> to vector<64xf32>
      %broadcast_in_dim3A_68 = vector.shape_cast %reduce_max3A_67 : vector<64xf32> to vector<1x64xf32>
      %get3A_69 = arith.index_cast %scan3A_62 : i32 to index
      %get3A_70 = arith.constant 0 : index
      %get3A_71 = vector.load %arg11[%get3A_69, %get3A_70] : memref<64x64xf32, #tpu.memory_space<vmem>>, vector<1x64xf32>
      %max3A_72 = arith.maximumf %get3A_71, %broadcast_in_dim3A_68 : vector<1x64xf32>
      %swap3A_73 = arith.index_cast %scan3A_62 : i32 to index
      %swap3A_74 = arith.constant 0 : index
      %swap3A_75 = vector.load %arg11[%swap3A_73, %swap3A_74] : memref<64x64xf32, #tpu.memory_space<vmem>>, vector<1x64xf32>
      tpu.vector_store %arg11[%swap3A_73, %swap3A_74], %max3A_72 {strides = array<i32>} : memref<64x64xf32, #tpu.memory_space<vmem>>, vector<1x64xf32>,
    }
    %scan3A_40 = arith.constant 64 : i32
    %get3A_41 = arith.constant 0 : index
    %get3A_42 = arith.constant 0 : index
    %get3A_43 = vector.load %arg11[%get3A_41, %get3A_42] : memref<64x64xf32, #tpu.memory_space<vmem>>, vector<64x64xf32>
    %swap3A_44 = arith.constant 0 : index
    %swap3A_45 = arith.constant 0 : index
    %swap3A_46 = vector.load %arg9[%swap3A_44, %swap3A_45] : memref<64x64xf32, #tpu.memory_space<vmem>>, vector<64x64xf32>
    tpu.vector_store %arg9[%swap3A_44, %swap3A_45], %get3A_43 {strides = array<i32>} : memref<64x64xf32, #tpu.memory_space<vmem>>, vector<64x64xf32>,
    %get3A_47 = arith.constant 0 : index
    %get3A_48 = arith.constant 0 : index
    %get3A_49 = vector.load %arg11[%get3A_47, %get3A_48] : memref<64x64xf32, #tpu.memory_space<vmem>>, vector<64x64xf32>
    %get3A_50 = arith.constant 0 : index
    %get3A_51 = arith.constant 0 : index
    %get3A_52 = vector.load %arg6[%get3A_50, %get3A_51] : memref<64x2xf32, #tpu.memory_space<vmem>>, vector<64x2xf32>
    %dot_general3A = arith.constant dense<0.000000e+00> : vector<64x2xf32>
    %dot_general3A_53 = tpu.matmul %get3A_49, %get3A_52, %dot_general3A {dimension_numbers = #tpu.dot_dimension_numbers<[1], [0], [0], [1], [0, 0, 1, 1], [], []>, transpose_lhs_hint = false} : vector<64x64xf32>, vector<64x2xf32>, vector<64x2xf32> -> vector<64x2xf32>
    %get3A_54 = arith.constant 0 : index
    %get3A_55 = arith.constant 0 : index
    %get3A_56 = vector.load %arg7[%get3A_54, %get3A_55] : memref<1x2xf32, #tpu.memory_space<vmem>>, vector<1x2xf32>
    %add3A_57 = vector.broadcast %get3A_56 : vector<1x2xf32> to vector<64x2xf32>
    %add3A_58 = arith.addf %dot_general3A_53, %add3A_57 : vector<64x2xf32>
    %swap3A_59 = arith.constant 0 : index
    %swap3A_60 = arith.constant 0 : index
    %swap3A_61 = vector.load %arg10[%swap3A_59, %swap3A_60] : memref<64x2xf32, #tpu.memory_space<vmem>>, vector<64x2xf32>
    tpu.vector_store %arg10[%swap3A_59, %swap3A_60], %add3A_58 {strides = array<i32>} : memref<64x2xf32, #tpu.memory_space<vmem>>, vector<64x2xf32>,
    return
  }
  func.func @transform_0(%arg0: i32) -> (i32, i32) {
    %c0_i32 = arith.constant 0 : i32
    %c0_i32_0 = arith.constant 0 : i32
    return %arg0, %c0_i32 : i32, i32
  }
  func.func @transform_1(%arg0: i32) -> (i32, i32) {
    %c0_i32 = arith.constant 0 : i32
    %c0_i32_0 = arith.constant 0 : i32
    %c0_i32_1 = arith.constant 0 : i32
    return %c0_i32, %c0_i32_0 : i32, i32
  }
  func.func @transform_2(%arg0: i32) -> (i32, i32) {
    %c0_i32 = arith.constant 0 : i32
    %c0_i32_0 = arith.constant 0 : i32
    %c0_i32_1 = arith.constant 0 : i32
    return %c0_i32, %c0_i32_0 : i32, i32
  }
  func.func @transform_3(%arg0: i32) -> (i32, i32) {
    %c0_i32 = arith.constant 0 : i32
    %c0_i32_0 = arith.constant 0 : i32
    %c0_i32_1 = arith.constant 0 : i32
    return %c0_i32, %c0_i32_0 : i32, i32
  }
  func.func @transform_4(%arg0: i32) -> (i32, i32) {
    %c0_i32 = arith.constant 0 : i32
    %c0_i32_0 = arith.constant 0 : i32
    return %arg0, %c0_i32 : i32, i32
  }
  func.func @transform_5(%arg0: i32) -> (i32, i32) {
    %c0_i32 = arith.constant 0 : i32
    %c0_i32_0 = arith.constant 0 : i32
    %c0_i32_1 = arith.constant 0 : i32
    return %c0_i32, %c0_i32_0 : i32, i32
  }
  func.func @transform_6(%arg0: i32) -> (i32, i32) {
    %c0_i32 = arith.constant 0 : i32
    %c0_i32_0 = arith.constant 0 : i32
    %c0_i32_1 = arith.constant 0 : i32
    return %c0_i32, %c0_i32_0 : i32, i32
  }
  func.func @transform_7(%arg0: i32) -> (i32, i32) {
    %c0_i32 = arith.constant 0 : i32
    %c0_i32_0 = arith.constant 0 : i32
    return %arg0, %c0_i32 : i32, i32
  }
  func.func @transform_8(%arg0: i32) -> (i32, i32) {
    %c0_i32 = arith.constant 0 : i32
    %c0_i32_0 = arith.constant 0 : i32
    %c0_i32_1 = arith.constant 0 : i32
    return %c0_i32, %c0_i32_0 : i32, i32
  }
  func.func @transform_9(%arg0: i32) -> (i32, i32) {
    %c0_i32 = arith.constant 0 : i32
    %c0_i32_0 = arith.constant 0 : i32
    %c0_i32_1 = arith.constant 0 : i32
    return %c0_i32, %c0_i32_0 : i32, i32
  }
}

</mosaic_0001>

<sc_bundles>
// kernel: kernel.13.cloned.1.call-start
scs
__scs_entry_jumppad:
0x0: {  	(pc) =	sbr.rel $0x88, $3  }
0x1: {  	(tag) =	ssettag $0x0;
	lr =	simm.s32 $0x1  }
0x2: {  	[smem:$0x3F90] =	sst lr;
	_ =	strace $0xD0000000  }
0x3: {  	_ = 	snop  }
0x4: {  	_ = 	snop  }
0x5: {  	_ = 	snop  }
0x6: {  	_ = 	snop  }
0x7: {  	_ = 	snop  }
__scs_overlays_trampoline_lowered:
0x8: {  	[smem:$0x3F9F] =	sst s0  }
0x9: {  	[smem:$0x3FA0] =	sst s1  }
0xa: {  	[smem:$0x3FA1] =	sst s2  }
0xb: {  	[smem:$0x3FA2] =	sst s3  }
0xc: {  	[smem:$0x3FA3] =	sst s4  }
0xd: {  	[smem:$0x3FA4] =	sst s5  }
0xe: {  	[smem:$0x3FA5] =	sst s6  }
0xf: {  	[smem:$0x3FA6] =	sst s7  }
0x10: {  	[smem:$0x3FA7] =	sst s8  }
0x11: {  	[smem:$0x3FA8] =	sst s9;
	s0 =	simm.s32 @!p0 $0x0  }
0x12: {  	s1 =	sld [smem:$0x3F8E];
	s0 =	simm.s32 @p0 $0x1  }
0x13: {  	[smem:$0x3FA9] =	sst s0;
	s0 =	simm.s32 @!p1 $0x0  }
0x14: {  	s2 =	sld [smem:$0x3F8D];
	s0 =	simm.s32 @p1 $0x1  }
0x15: {  	[smem:$0x3FAA] =	sst s0;
	s0 =	simm.s32 @!p2 $0x0  }
0x16: {  	s3 =	sld [smem:$0x3FDB];
	s0 =	simm.s32 @p2 $0x1  }
0x17: {  	s4 =	simm.s32 $0x1BF5;
	[smem:$0x3FAC] =	sst s0  }
0x18: {  	s0 =	sld [smem:$0x3F8F];
	_ =	swait.ge [sflag:s4], $0x0  }
0x19: {  	s7 =	sld [smem:$0x3F90]  }
0x1a: {  	s8 =	sadd.s32 $0xFFFFE003, lr  }
0x1b: {  	s9 =	sadd.s32 $0xFFFFFEF7, lr;
	s5 =	simm.s32 $0xFFFFFFFF;
	p2 =	slt.u32 s8, $0xFFFFF086  }
0x1c: {  	p1 =	slt.u32 s9, $0xF7A;
	s5 =	simm.s32 @!p2 $0x0  }
0x1d: {  	s5 =	simm.s32 @p1 $0x1;
	p0 =	seq.s32 s7, s2  }
0x1e: {  	s7 =	smul.u32 @!p0 $0xF7A, s2;
	p2 =	seq.s32 @!p0 s5, $0x0  }
0x1f: {  	s9 =	smul.u32 $0xF7A, s1;
	s8 =	simm.s32 @!p0 $0x1BF5;
	p2 =	por !p2, p0  }
0x20: {  	[sflag:s8] =	ssyncset.s32 @!p0 $0xFFFFF086;
	s6 =	sadd.s32 @!p0 s3, s7;
	s7 =	simm.s32 @!p0 $0x108  }
0x21: {  	s3 =	sadd.s32 s3, s9;
	s6 =	sadd.s32 @!p0 $0x88, s6;
	s7 =	simm.s32 @p2 $0x1082  }
0x22: {  	[simem:s7], [sflag:s8] =	dma.local @!p0 [hbm:s6], $0xF7A  }
0x23: {  	s9 =	sor.u32 $0xD0000000, s2;
	s6 =	simm.s32 $0x108;
	_ =	swait.ge @!p0 [sflag:s8], $0x0  }
0x24: {  	s3 =	sadd.s32 $0x88, s3;
	s6 =	simm.s32 @!p1 $0x1082;
	[sflag:s4] =	ssyncset.s32 $0xFFFFF086  }
0x25: {  	[simem:s6], [sflag:s4] =	dma.local [hbm:s3], $0xF7A  }
0x26: {  	[smem:$0x3F90] =	sst s1;
	(tag) =	ssettag s2;
	_ =	strace s9  }
0x27: {  	s1 =	sld [smem:$0x3FA0]  }
0x28: {  	s2 =	sld [smem:$0x3FA1]  }
0x29: {  	s4 =	sld [smem:$0x3FA3]  }
0x2a: {  	p0 =	seq.s32 s5, $0x0;
	s5 =	sld [smem:$0x3FA4]  }
0x2b: {  	s6 =	sld [smem:$0x3FA5]  }
0x2c: {  	s7 =	sld [smem:$0x3FA6]  }
0x2d: {  	s3 =	simm.s32 $0x108;
	s8 =	sld [smem:$0x3FA7]  }
0x2e: {  	s3 =	simm.s32 @!p0 $0x1082;
	s9 =	sld [smem:$0x3FA8]  }
0x2f: {  	lr =	sadd.s32 s0, s3;
	s0 =	sld [smem:$0x3F9F]  }
0x30: {  	s3 =	sld [smem:$0x3FA2]  }
0x31: {  	[smem:$0x3FAB] =	sst s10  }
0x32: {  	s10 =	sld [smem:$0x3FA9];
	_ =	sdelay $0x3  }
0x33: {  	p0 =	seq.s32 s10, $0x1;
	s10 =	sld [smem:$0x3FAB];
	_ =	sdelay $0x3  }
0x34: {  	[smem:$0x3FAB] =	sst s10  }
0x35: {  	s10 =	sld [smem:$0x3FAA];
	_ =	sdelay $0x3  }
0x36: {  	p1 =	seq.s32 s10, $0x1;
	s10 =	sld [smem:$0x3FAB];
	_ =	sdelay $0x3  }
0x37: {  	[smem:$0x3FAB] =	sst s10  }
0x38: {  	s10 =	sld [smem:$0x3FAC]  }
0x39: {  	_ = 	snop;
	(pc) =	sbr.ind lr, $3  }
0x3a: {  	_ = 	snop  }
0x3b: {  	_ = 	snop  }
0x3c: {  	p2 =	seq.s32 s10, $0x1;
	s10 =	sld [smem:$0x3FAB]  }
0x3d: {  	_ =	shalt  }
0x3e: {  	_ =	shalt  }
0x3f: {  	_ =	shalt  }
0x40: {  	_ =	shalt  }
0x41: {  	_ =	shalt  }
0x42: {  	_ =	shalt  }
0x43: {  	_ =	shalt  }
0x44: {  	_ =	shalt  }
0x45: {  	_ =	shalt  }
0x46: {  	_ =	shalt  }
0x47: {  	_ =	shalt  }
0x48: {  	_ =	shalt  }
0x49: {  	_ =	shalt  }
0x4a: {  	_ =	shalt  }
0x4b: {  	_ =	shalt  }
0x4c: {  	_ =	shalt  }
0x4d: {  	_ =	shalt  }
0x4e: {  	_ =	shalt  }
0x4f: {  	_ =	shalt  }
0x50: {  	_ =	shalt  }
0x51: {  	_ =	shalt  }
0x52: {  	_ =	shalt  }
0x53: {  	_ =	shalt  }
0x54: {  	_ =	shalt  }
0x55: {  	_ =	shalt  }
0x56: {  	_ =	shalt  }
0x57: {  	_ =	shalt  }
0x58: {  	_ =	shalt  }
0x59: {  	_ =	shalt  }
0x5a: {  	_ =	shalt  }
0x5b: {  	_ =	shalt  }
0x5c: {  	_ =	shalt  }
0x5d: {  	_ =	shalt  }
0x5e: {  	_ =	shalt  }
0x5f: {  	_ =	shalt  }
0x60: {  	_ =	shalt  }
0x61: {  	_ =	shalt  }
0x62: {  	_ =	shalt  }
0x63: {  	_ =	shalt  }
0x64: {  	_ =	shalt  }
0x65: {  	_ =	shalt  }
0x66: {  	_ =	shalt  }
0x67: {  	_ =	shalt  }
0x68: {  	_ =	shalt  }
0x69: {  	_ =	shalt  }
0x6a: {  	_ =	shalt  }
0x6b: {  	_ =	shalt  }
0x6c: {  	_ =	shalt  }
0x6d: {  	_ =	shalt  }
0x6e: {  	_ =	shalt  }
0x6f: {  	_ =	shalt  }
0x70: {  	_ =	shalt  }
0x71: {  	_ =	shalt  }
0x72: {  	_ =	shalt  }
0x73: {  	_ =	shalt  }
0x74: {  	_ =	shalt  }
0x75: {  	_ =	shalt  }
0x76: {  	_ =	shalt  }
0x77: {  	_ =	shalt  }
0x78: {  	_ =	shalt  }
0x79: {  	_ =	shalt  }
0x7a: {  	_ =	shalt  }
0x7b: {  	_ =	shalt  }
0x7c: {  	_ =	shalt  }
0x7d: {  	_ =	shalt  }
0x7e: {  	_ =	shalt  }
0x7f: {  	_ =	shalt  }
0x80: {  	_ =	shalt  }
0x81: {  	_ =	shalt  }
0x82: {  	_ =	shalt  }
0x83: {  	_ =	shalt  }
0x84: {  	_ =	shalt  }
0x85: {  	_ =	shalt  }
0x86: {  	_ =	shalt  }
0x87: {  	_ =	shalt  }
.Lfunc_end0:
.L_simem_size_0:
called_computation_lowered:
.L_overlay_start_0:
0x88: {  	s2 =	sld [smem:$0x3FD9]  }
0x89: {  	s3 =	sld [smem:$0x3FFE];
	_ =	sdelay $0x1  }
0x8a: {  	s1 =	srdreg.scid  }
0x8b: {  	s0 =	sand.u32 $0x1, s1  }
0x8c: {  	s14 =	sshll.u32 s0, $0xA;
	s2 =	sadd.s32 s3, s2  }
0x8d: {  	s2 =	sadd.s32 s2, s14  }
0x8e: {  	[smem:$0x3FB7] =	sst s2  }
0x8f: {  	_ = 	snop  }
0x90: {  	s2 =	sld [smem:$0x3FD0];
	_ =	sdelay $0x2  }
0x91: {  	s15 =	simm.s32 $0xA;
	s4 =	simm.s32 $0x10  }
0x92: {  	[smem:s4], [sflag:s15] =	dma.local [hbm:s2], $0x1  }
0x93: {  	_ =	swait.eq [sflag:s15], $0x1  }
0x94: {  	s16 =	sld [smem:$0x10];
	[sflag:s15] =	ssyncset.done $0x0  }
0x95: {  	s17 =	sld [smem:$0x11];
	[sflag:s15] =	ssyncadd.s32 $0xFFFFFFFF  }
0x96: {  	s18 =	sld [smem:$0x12];
	(tm) =	ssettm $0x1  }
0x97: {  	s5 =	sld [smem:$0x3FFB];
	_ =	sdelay $0x3  }
0x98: {  	_ =	strace s5  }
0x99: {  	s5 =	sld [smem:$0x3FFC];
	_ =	sdelay $0x3  }
0x9a: {  	_ =	strace s5  }
0x9b: {  	s5 =	sld [smem:$0x3FFD];
	_ =	sdelay $0x3  }
0x9c: {  	_ =	strace s5  }
0x9d: {  	_ =	strace $0x8FFFFFFF  }
0x9e: {  	s19 =	sld [smem:$0x3FDB];
	_ =	sdelay $0x1  }
0x9f: {  	s6 =	simm.s32 $_scs_section_size  }
0xa0: {  	s7 =	simm.s32 $_size__tile_overlayer_lowered;
	s8 =	simm.s32 $_tile_overlayer_lowered  }
0xa1: {  	s22 =	simm.s32 $0x1BFF;
	s21 =	sshll.u32 s8, $0x1;
	s5 =	sadd.s32 s6, s19  }
0xa2: {  	s9 =	simm.s32 $0x0;
	s20 =	sshll.u32 s7, $0x1;
	s7 =	sadd.s32 s21, s5  }
0xa3: {  	[timem:s9], [sflag:s22] =	dma.local [hbm:s7], s20  }
0xa4: {  	_ =	swait.ge [sflag:s22], s20  }
0xa5: {  	s6 =	ssub.s32 $0x0, s20;
	[sflag:s22] =	ssyncset.done $0x0  }
0xa6: {  	[sflag:s22] =	ssyncadd.s32 s6;
	_ =	sdelay $0x1  }
0xa7: {  	s23 =	simm.s32 $0x1B8B  }
0xa8: {  	_ =	swait.ge [sflag:s23], $0x1  }
0xa9: {  	[sflag:s23] =	ssyncset.done $0x0  }
0xaa: {  	s25 =	simm.s32 $0x1B8E;
	s24 =	sld [smem:$0x3FFE];
	[sflag:s23] =	ssyncadd.s32 $0xFFFFFFFF  }
0xab: {  	s26 =	simm.s32 $execute0_lowered;
	[smem:$0x3FD2] =	sst s25  }
0xac: {  	s7 =	sshll.u32 s26, $0x1;
	_ =	strace $0x80000046;
	[dreg:$0x1] =	wrdreg $0xFFFFFFFF  }
0xad: {  	s28 =	simm.s32 $_size_execute0_lowered;
	s5 =	sadd.s32 s5, s7;
	[dreg:$0x0] =	wrdreg $0x0  }
0xae: {  	s7 =	sshll.u32 s28, $0x1;
	[dreg:$0x2] =	wrdreg s5  }
0xaf: {  	[dreg:$0x3] =	wrdreg s7  }
0xb0: {  	[dreg:$0x4] =	wrdreg $0xC0  }
0xb1: {  	_ =	task [dreg:s9], $0x5FFFF  }
0xb2: {  	[dreg:$0x1] =	wrdreg $0xFFFFFFFF  }
0xb3: {  	[dreg:$0x0] =	wrdreg $0x60  }
0xb4: {  	[dreg:$0x2] =	wrdreg s16  }
0xb5: {  	[dreg:$0x3] =	wrdreg s18  }
0xb6: {  	[dreg:$0x4] =	wrdreg s17  }
0xb7: {  	[dreg:$0x5] =	wrdreg s24  }
0xb8: {  	[dreg:$0x6] =	wrdreg $0x1000  }
0xb9: {  	[dreg:$0x7] =	wrdreg $0x9  }
0xba: {  	_ =	task.clear_ibuf [dreg:s9], $0x8FFFF;
	_ =	strace $0x90000046  }
0xbb: {  	s29 =	simm.s32 $0x9;
	_ =	strace $0x80000048  }
0xbc: {  	_ =	swait.ge [sflag:s29], $0x1  }
0xbd: {  	[sflag:s29] =	ssyncadd.s32 $0xFFFFFFFF  }
0xbe: {  	_ =	strace $0x90000048  }
0xbf: {  	_ =	sfence  }
0xc0: {  	s30 =	sld [smem:$0x0];
	_ =	sdelay $0x2  }
0xc1: {  	s31 =	sshll.u32 s1, $0xD;
	s1 =	sshrl.u32 s1, $0x2  }
0xc2: {  	s3 =	sand.u32 $0x4000, s31;
	s1 =	sadd.s32 s1, s30  }
0xc3: {  	s0 =	sor.u32 s3, s0;
	s1 =	sshll.u32 s1, $0x11  }
0xc4: {  	s0 =	sor.u32 s1, s0  }
0xc5: {  	s0 =	sadd.s32 $0x8F2B, s0  }
0xc6: {  	[sflag:s0] =	ssyncadd.remote.s32 $0x1  }
0xc7: {  	_ =	sfence.sel $0xFFFF  }
0xc8: {  	[dreg:$0x0] =	wrdreg $0xFFFFFFFF;
	(pc) =	sbr.abs _section_cstart, $3  }
0xc9: {  	[dreg:$0x1] =	wrdreg $0xFFFFFFFF  }
0xca: {  	_ =	task.clear_ibuf [dreg:s9], $0x2FFFF;
	_ =	strace $0x9FFFFFFF  }
0xcb: {  	(tm) =	ssettm $0x7FFFFFFF  }
tec
execute0_lowered:
.L_overlay_start_1:
0x0: {  	(tag) =	ssettag $0x1  }
0x1: {  	s7 =	rddreg [dreg:$0x0]  }
0x2: {  	s1 =	rddreg [dreg:$0x1]  }
0x3: {  	s2 =	rddreg [dreg:$0x2]  }
0x4: {  	s6 =	rddreg [dreg:$0x3]  }
0x5: {  	s4 =	rddreg [dreg:$0x4]  }
0x6: {  	s0 =	rddreg [dreg:$0x5];
	s8 =	srdreg.scid  }
0x7: {  	s3 =	stileid.u32;
	s5 =	simm.s32 $0x0;
	s14 =	simm.s32 $0x10  }
0x8: {  	s15 =	simm.s32 $0x0;
	s8 =	sand.u32 $0x1, s8;
	s9 =	smul.u32 $0x500, s3  }
0x9: {  	[smem:$0x7FF] =	sst s5;
	s12 =	smul.u32 $0xA00, s3;
	s29 =	sshll.u32 s3, $0x6  }
0xa: {  	s30 =	smul.u32 $0x4F0, s3;
	s10 =	sshll.u32 s8, $0x7;
	_ =	strace $0x80000047  }
0xb: {  	s26 =	ssub.s32 $0x2, s8;
	s8 =	smul.u32 $0x4F00, s8;
	s9 =	sor.u32 s10, s9  }
0xc: {  	s11 =	sshrl.u32 s26, $0x1;
	s28 =	sshrl.u32 s12, $0x2;
	s12 =	simm.s32 $0x80  }
0xd: {  	s9 =	sshrl.u32 s9, $0x3;
	s10 =	ssub.s32 s26, s11;
	s13 =	sadd.s32 s28, s4  }
0xe: {  	s31 =	sadd.s32 s8, s7;
	s11 =	simm.s32 $0x1;
	s9 =	sadd.s32 s9, s6  }
0xf: {  	s6 =	sor.u32 $0x1C01, s29;
	s8 =	smax.u32 s10, $0x1;
	s10 =	sshrl.u32 s13, $0x3  }
0x10: {  	s13 =	simm.s32 $0x20;
	s7 =	sadd.s32 $0x4400, s9;
	s9 =	sadd.s32 s30, s31  }
.LBB2_1:
0x11: {  	[spmem:s10], [sflag:s6] =	dma.local [hbm:s2], $0x50  }
0x12: {  	_ =	swait.ge [sflag:s11], $0x50  }
0x13: {  	[sflag:s11] =	ssyncset.done $0x0  }
0x14: {  	[sflag:s11] =	ssyncadd.s32 $0xFFFFFFB0  }
0x15: {  	[tilespmem:s12], [sflag:$0x1] =	stream.linear.gather [hbm4b:s1+s5], $0x80, $0x38;
	[tilespmem:$0x380] =	vst v63  }
0x16: {  	_ =	swait.ge [sflag:s11], $0x80  }
0x17: {  	[sflag:s11] =	ssyncset.done $0x0  }
0x18: {  	[sflag:s11] =	ssyncadd.s32 $0xFFFFFF80  }
0x19: {  	s16 =	sadd.s32 $0x0, s9;
	[bflag:$0x0] =	sbarrier.arrive $0xFFFF  }
0x1a: {  	[tilespmem:s5], [sflag:$0x1] =	stream.linear.gather [hbm4b:s16+s5], $0x80, $0x38;
	[tilespmem:$0x380] =	vst v63  }
0x1b: {  	_ =	swait.ge [sflag:s11], $0x80  }
0x1c: {  	[sflag:s11] =	ssyncset.done $0x0  }
0x1d: {  	[sflag:s11] =	ssyncadd.s32 $0xFFFFFF80  }
0x1e: {  	[spmem:s4] =	stream.indirect.scatter.add.f32 [tilespmem:s12], [sflag:$0x1], $0x1, s5, s12, $0xb8;
	[tilespmem:$0x380] =	vst v63  }
0x1f: {  	_ =	swait.ge [sflag:s11], $0x80  }
0x20: {  	s17 =	simm.s32 $0x20;
	s16 =	simm.s32 $0x10;
	[sflag:s11] =	ssyncset.done $0x0  }
.LBB2_2:
0x21: {  	s18 =	sadd.s32 s16, s9  }
0x22: {  	[sflag:s11] =	ssyncadd.s32 $0xFFFFFF80;
	s16 =	smov.u32 s17;
	s19 =	sadd.s32 $0x10, s17  }
0x23: {  	[tilespmem:s5], [sflag:$0x1] =	stream.linear.gather [hbm4b:s18+s5], $0x80, $0x38;
	[tilespmem:$0x380] =	vst v63  }
0x24: {  	p0 =	sne.s32 s17, $0x4E0;
	_ =	swait.ge [sflag:s11], $0x80  }
.Ltmp0:
0x25: {  	[sflag:s11] =	ssyncset.done $0x0;
	(pc) =	sbr.rel @p0 .LBB2_2-.Ltmp0, $4  }
0x26: {  	[sflag:s11] =	ssyncadd.s32 $0xFFFFFF80  }
0x27: {  	[spmem:s4] =	stream.indirect.scatter.add.f32 [tilespmem:s12], [sflag:$0x1], $0x1, s5, s12, $0xb8;
	[tilespmem:$0x380] =	vst v63  }
0x28: {  	_ =	swait.ge [sflag:s11], $0x80  }
0x29: {  	s17 =	smov.u32 s19;
	[sflag:s11] =	ssyncset.done $0x0  }
0x2a: {  	s16 =	sadd.s32 s16, s9;
	[sflag:s11] =	ssyncadd.s32 $0xFFFFFF80  }
0x2b: {  	[tilespmem:s5], [sflag:$0x1] =	stream.linear.gather [hbm4b:s16+s5], $0x80, $0x38;
	[tilespmem:$0x380] =	vst v63  }
0x2c: {  	_ =	swait.ge [sflag:s11], $0x80  }
0x2d: {  	[sflag:s11] =	ssyncset.done $0x0  }
0x2e: {  	[sflag:s11] =	ssyncadd.s32 $0xFFFFFF80  }
0x2f: {  	[spmem:s4] =	stream.indirect.scatter.add.f32 [tilespmem:s12], [sflag:$0x1], $0x1, s5, s12, $0xb8;
	[tilespmem:$0x380] =	vst v63  }
0x30: {  	_ =	swait.ge [sflag:s11], $0x80  }
0x31: {  	s15 =	sadd.s32 $0x1, s15;
	[sflag:s11] =	ssyncset.done $0x0  }
0x32: {  	p0 =	sne.s32 s15, s8;
	[sflag:s11] =	ssyncadd.s32 $0xFFFFFF80  }
.Ltmp1:
0x33: {  	[bflag:$0x0] =	sbarrier.arrive $0xFFFF;
	(pc) =	sbr.rel @p0 .LBB2_1-.Ltmp1, $4  }
0x34: {  	[hbm:s7@s13], [sflag:s6] =	dma.strided [spmem:s10@s14], $0x50, s11, $0x10   }
0x35: {  	_ =	swait.ge [sflag:s11], $0x50  }
0x36: {  	[sflag:s11] =	ssyncset.done $0x0  }
0x37: {  	[sflag:s11] =	ssyncadd.s32 $0xFFFFFFB0  }
0x38: {  	_ =	sfence.sel $0x180000  }
0x39: {  	[bflag:$0x0] =	sbarrier.arrive $0xFFFF  }
0x3a: {  	p0 =	sne.s32 s3, $0x0;
	_ =	strace $0x90000047  }
0x3b: {  	s0 =	sadd.s32 @!p0 $0x100000, s0;
	[bflag:$0x2] =	sbarrier.arrive $0xFFFF  }
0x3c: {  	[sflag:s0] =	ssyncadd.tile.s32 @!p0 $0x1;
	_ =	shalt  }
.Lfunc_end2:
_tile_overlayer_lowered:
.L_overlay_start_2:
0x3d: {  	(tag) =	ssettag $0x2  }
0x3e: {  	s0 =	rddreg [dreg:$0x0];
	s2 =	stileid.u32  }
0x3f: {  	s1 =	rddreg [dreg:$0x1];
	p0 =	sne.s32 s2, $0x0  }
0x40: {  	s3 =	rddreg [dreg:$0x2];
	[bflag:$0x3] =	sbarrier.arrive $0xFFFF;
	s2 =	simm.s32 @!p0 $0x1C01  }
0x41: {  	[timem:s3], [sflag:s2] =	dma.local @!p0 [hbm:s0], s1  }
0x42: {  	s0 =	simm.s32 @!p0 $0x1  }
0x43: {  	_ =	swait.ge @!p0 [sflag:s0], s1  }
0x44: {  	s1 =	ssub.s32 @!p0 $0x0, s1;
	[sflag:s0] =	ssyncset.done @!p0 $0x0  }
0x45: {  	[sflag:s0] =	ssyncadd.s32 @!p0 s1  }
0x46: {  	[bflag:$0x3] =	sbarrier.arrive $0xFFFF  }
0x47: {  	_ =	shalt  }

// kernel: kernel.16.cloned.1.call-start
scs
__scs_entry_jumppad:
0x0: {  	(pc) =	sbr.rel $0x88, $3  }
0x1: {  	(tag) =	ssettag $0x0;
	lr =	simm.s32 $0x1  }
0x2: {  	[smem:$0x3F90] =	sst lr;
	_ =	strace $0xD0000000  }
0x3: {  	_ = 	snop  }
0x4: {  	_ = 	snop  }
0x5: {  	_ = 	snop  }
0x6: {  	_ = 	snop  }
0x7: {  	_ = 	snop  }
__scs_overlays_trampoline_lowered:
0x8: {  	[smem:$0x3F9F] =	sst s0  }
0x9: {  	[smem:$0x3FA0] =	sst s1  }
0xa: {  	[smem:$0x3FA1] =	sst s2  }
0xb: {  	[smem:$0x3FA2] =	sst s3  }
0xc: {  	[smem:$0x3FA3] =	sst s4  }
0xd: {  	[smem:$0x3FA4] =	sst s5  }
0xe: {  	[smem:$0x3FA5] =	sst s6  }
0xf: {  	[smem:$0x3FA6] =	sst s7  }
0x10: {  	[smem:$0x3FA7] =	sst s8  }
0x11: {  	[smem:$0x3FA8] =	sst s9;
	s0 =	simm.s32 @!p0 $0x0  }
0x12: {  	s1 =	sld [smem:$0x3F8E];
	s0 =	simm.s32 @p0 $0x1  }
0x13: {  	[smem:$0x3FA9] =	sst s0;
	s0 =	simm.s32 @!p1 $0x0  }
0x14: {  	s2 =	sld [smem:$0x3F8D];
	s0 =	simm.s32 @p1 $0x1  }
0x15: {  	[smem:$0x3FAA] =	sst s0;
	s0 =	simm.s32 @!p2 $0x0  }
0x16: {  	s3 =	sld [smem:$0x3FDB];
	s0 =	simm.s32 @p2 $0x1  }
0x17: {  	s4 =	simm.s32 $0x1BF5;
	[smem:$0x3FAC] =	sst s0  }
0x18: {  	s0 =	sld [smem:$0x3F8F];
	_ =	swait.ge [sflag:s4], $0x0  }
0x19: {  	s7 =	sld [smem:$0x3F90]  }
0x1a: {  	s8 =	sadd.s32 $0xFFFFE003, lr  }
0x1b: {  	s9 =	sadd.s32 $0xFFFFFEF7, lr;
	s5 =	simm.s32 $0xFFFFFFFF;
	p2 =	slt.u32 s8, $0xFFFFF086  }
0x1c: {  	p1 =	slt.u32 s9, $0xF7A;
	s5 =	simm.s32 @!p2 $0x0  }
0x1d: {  	s5 =	simm.s32 @p1 $0x1;
	p0 =	seq.s32 s7, s2  }
0x1e: {  	s7 =	smul.u32 @!p0 $0xF7A, s2;
	p2 =	seq.s32 @!p0 s5, $0x0  }
0x1f: {  	s9 =	smul.u32 $0xF7A, s1;
	s8 =	simm.s32 @!p0 $0x1BF5;
	p2 =	por !p2, p0  }
0x20: {  	[sflag:s8] =	ssyncset.s32 @!p0 $0xFFFFF086;
	s6 =	sadd.s32 @!p0 s3, s7;
	s7 =	simm.s32 @!p0 $0x108  }
0x21: {  	s3 =	sadd.s32 s3, s9;
	s6 =	sadd.s32 @!p0 $0x88, s6;
	s7 =	simm.s32 @p2 $0x1082  }
0x22: {  	[simem:s7], [sflag:s8] =	dma.local @!p0 [hbm:s6], $0xF7A  }
0x23: {  	s9 =	sor.u32 $0xD0000000, s2;
	s6 =	simm.s32 $0x108;
	_ =	swait.ge @!p0 [sflag:s8], $0x0  }
0x24: {  	s3 =	sadd.s32 $0x88, s3;
	s6 =	simm.s32 @!p1 $0x1082;
	[sflag:s4] =	ssyncset.s32 $0xFFFFF086  }
0x25: {  	[simem:s6], [sflag:s4] =	dma.local [hbm:s3], $0xF7A  }
0x26: {  	[smem:$0x3F90] =	sst s1;
	(tag) =	ssettag s2;
	_ =	strace s9  }
0x27: {  	s1 =	sld [smem:$0x3FA0]  }
0x28: {  	s2 =	sld [smem:$0x3FA1]  }
0x29: {  	s4 =	sld [smem:$0x3FA3]  }
0x2a: {  	p0 =	seq.s32 s5, $0x0;
	s5 =	sld [smem:$0x3FA4]  }
0x2b: {  	s6 =	sld [smem:$0x3FA5]  }
0x2c: {  	s7 =	sld [smem:$0x3FA6]  }
0x2d: {  	s3 =	simm.s32 $0x108;
	s8 =	sld [smem:$0x3FA7]  }
0x2e: {  	s3 =	simm.s32 @!p0 $0x1082;
	s9 =	sld [smem:$0x3FA8]  }
0x2f: {  	lr =	sadd.s32 s0, s3;
	s0 =	sld [smem:$0x3F9F]  }
0x30: {  	s3 =	sld [smem:$0x3FA2]  }
0x31: {  	[smem:$0x3FAB] =	sst s10  }
0x32: {  	s10 =	sld [smem:$0x3FA9];
	_ =	sdelay $0x3  }
0x33: {  	p0 =	seq.s32 s10, $0x1;
	s10 =	sld [smem:$0x3FAB];
	_ =	sdelay $0x3  }
0x34: {  	[smem:$0x3FAB] =	sst s10  }
0x35: {  	s10 =	sld [smem:$0x3FAA];
	_ =	sdelay $0x3  }
0x36: {  	p1 =	seq.s32 s10, $0x1;
	s10 =	sld [smem:$0x3FAB];
	_ =	sdelay $0x3  }
0x37: {  	[smem:$0x3FAB] =	sst s10  }
0x38: {  	s10 =	sld [smem:$0x3FAC]  }
0x39: {  	_ = 	snop;
	(pc) =	sbr.ind lr, $3  }
0x3a: {  	_ = 	snop  }
0x3b: {  	_ = 	snop  }
0x3c: {  	p2 =	seq.s32 s10, $0x1;
	s10 =	sld [smem:$0x3FAB]  }
0x3d: {  	_ =	shalt  }
0x3e: {  	_ =	shalt  }
0x3f: {  	_ =	shalt  }
0x40: {  	_ =	shalt  }
0x41: {  	_ =	shalt  }
0x42: {  	_ =	shalt  }
0x43: {  	_ =	shalt  }
0x44: {  	_ =	shalt  }
0x45: {  	_ =	shalt  }
0x46: {  	_ =	shalt  }
0x47: {  	_ =	shalt  }
0x48: {  	_ =	shalt  }
0x49: {  	_ =	shalt  }
0x4a: {  	_ =	shalt  }
0x4b: {  	_ =	shalt  }
0x4c: {  	_ =	shalt  }
0x4d: {  	_ =	shalt  }
0x4e: {  	_ =	shalt  }
0x4f: {  	_ =	shalt  }
0x50: {  	_ =	shalt  }
0x51: {  	_ =	shalt  }
0x52: {  	_ =	shalt  }
0x53: {  	_ =	shalt  }
0x54: {  	_ =	shalt  }
0x55: {  	_ =	shalt  }
0x56: {  	_ =	shalt  }
0x57: {  	_ =	shalt  }
0x58: {  	_ =	shalt  }
0x59: {  	_ =	shalt  }
0x5a: {  	_ =	shalt  }
0x5b: {  	_ =	shalt  }
0x5c: {  	_ =	shalt  }
0x5d: {  	_ =	shalt  }
0x5e: {  	_ =	shalt  }
0x5f: {  	_ =	shalt  }
0x60: {  	_ =	shalt  }
0x61: {  	_ =	shalt  }
0x62: {  	_ =	shalt  }
0x63: {  	_ =	shalt  }
0x64: {  	_ =	shalt  }
0x65: {  	_ =	shalt  }
0x66: {  	_ =	shalt  }
0x67: {  	_ =	shalt  }
0x68: {  	_ =	shalt  }
0x69: {  	_ =	shalt  }
0x6a: {  	_ =	shalt  }
0x6b: {  	_ =	shalt  }
0x6c: {  	_ =	shalt  }
0x6d: {  	_ =	shalt  }
0x6e: {  	_ =	shalt  }
0x6f: {  	_ =	shalt  }
0x70: {  	_ =	shalt  }
0x71: {  	_ =	shalt  }
0x72: {  	_ =	shalt  }
0x73: {  	_ =	shalt  }
0x74: {  	_ =	shalt  }
0x75: {  	_ =	shalt  }
0x76: {  	_ =	shalt  }
0x77: {  	_ =	shalt  }
0x78: {  	_ =	shalt  }
0x79: {  	_ =	shalt  }
0x7a: {  	_ =	shalt  }
0x7b: {  	_ =	shalt  }
0x7c: {  	_ =	shalt  }
0x7d: {  	_ =	shalt  }
0x7e: {  	_ =	shalt  }
0x7f: {  	_ =	shalt  }
0x80: {  	_ =	shalt  }
0x81: {  	_ =	shalt  }
0x82: {  	_ =	shalt  }
0x83: {  	_ =	shalt  }
0x84: {  	_ =	shalt  }
0x85: {  	_ =	shalt  }
0x86: {  	_ =	shalt  }
0x87: {  	_ =	shalt  }
.Lfunc_end0:
.L_simem_size_0:
called_computation.1_lowered:
.L_overlay_start_0:
0x88: {  	s2 =	sld [smem:$0x3FD9]  }
0x89: {  	s3 =	sld [smem:$0x3FFE];
	_ =	sdelay $0x1  }
0x8a: {  	s1 =	srdreg.scid  }
0x8b: {  	s0 =	sand.u32 $0x1, s1  }
0x8c: {  	s14 =	sshll.u32 s0, $0xA;
	s2 =	sadd.s32 s3, s2  }
0x8d: {  	s2 =	sadd.s32 s2, s14  }
0x8e: {  	[smem:$0x3FB7] =	sst s2  }
0x8f: {  	_ = 	snop  }
0x90: {  	s2 =	sld [smem:$0x3FD0];
	_ =	sdelay $0x2  }
0x91: {  	s15 =	simm.s32 $0xA;
	s4 =	simm.s32 $0x10  }
0x92: {  	[smem:s4], [sflag:s15] =	dma.local [hbm:s2], $0x1  }
0x93: {  	_ =	swait.eq [sflag:s15], $0x1  }
0x94: {  	[sflag:s15] =	ssyncset.done $0x0  }
0x95: {  	[sflag:s15] =	ssyncadd.s32 $0xFFFFFFFF  }
0x96: {  	s16 =	sld [smem:$0x10];
	(tm) =	ssettm $0x1  }
0x97: {  	s17 =	sld [smem:$0x3FFB];
	_ =	sdelay $0x3  }
0x98: {  	_ =	strace s17  }
0x99: {  	s3 =	sld [smem:$0x3FFC];
	_ =	sdelay $0x3  }
0x9a: {  	_ =	strace s3  }
0x9b: {  	s3 =	sld [smem:$0x3FFD];
	_ =	sdelay $0x3  }
0x9c: {  	_ =	strace s3  }
0x9d: {  	_ =	strace $0x8FFFFFFF  }
0x9e: {  	s18 =	sld [smem:$0x3FDB];
	_ =	sdelay $0x1  }
0x9f: {  	s19 =	simm.s32 $_scs_section_size  }
0xa0: {  	s5 =	simm.s32 $_size__tile_overlayer_lowered;
	s6 =	simm.s32 $_tile_overlayer_lowered  }
0xa1: {  	s22 =	simm.s32 $0x1BFF;
	s21 =	sshll.u32 s6, $0x1;
	s3 =	sadd.s32 s19, s18  }
0xa2: {  	s7 =	simm.s32 $0x0;
	s20 =	sshll.u32 s5, $0x1;
	s5 =	sadd.s32 s21, s3  }
0xa3: {  	[timem:s7], [sflag:s22] =	dma.local [hbm:s5], s20  }
0xa4: {  	_ =	swait.ge [sflag:s22], s20  }
0xa5: {  	s4 =	ssub.s32 $0x0, s20;
	[sflag:s22] =	ssyncset.done $0x0  }
0xa6: {  	[sflag:s22] =	ssyncadd.s32 s4;
	_ =	sdelay $0x1  }
0xa7: {  	s23 =	simm.s32 $0x1B8B  }
0xa8: {  	_ =	swait.ge [sflag:s23], $0x1  }
0xa9: {  	[sflag:s23] =	ssyncset.done $0x0  }
0xaa: {  	s25 =	simm.s32 $0x1B8E;
	s24 =	sld [smem:$0x3FFE];
	[sflag:s23] =	ssyncadd.s32 $0xFFFFFFFF  }
0xab: {  	s26 =	simm.s32 $execute0_lowered;
	[smem:$0x3FD2] =	sst s25  }
0xac: {  	s5 =	sshll.u32 s26, $0x1;
	_ =	strace $0x80000049;
	[dreg:$0x1] =	wrdreg $0xFFFFFFFF  }
0xad: {  	s28 =	simm.s32 $_size_execute0_lowered;
	s3 =	sadd.s32 s3, s5;
	[dreg:$0x0] =	wrdreg $0x0  }
0xae: {  	s5 =	sshll.u32 s28, $0x1;
	[dreg:$0x2] =	wrdreg s3  }
0xaf: {  	[dreg:$0x3] =	wrdreg s5  }
0xb0: {  	[dreg:$0x4] =	wrdreg $0xC0  }
0xb1: {  	_ =	task [dreg:s7], $0x5FFFF  }
0xb2: {  	[dreg:$0x1] =	wrdreg $0xFFFFFFFF  }
0xb3: {  	[dreg:$0x0] =	wrdreg $0x60  }
0xb4: {  	[dreg:$0x2] =	wrdreg s24  }
0xb5: {  	[dreg:$0x3] =	wrdreg s16  }
0xb6: {  	[dreg:$0x4] =	wrdreg $0x41000  }
0xb7: {  	[dreg:$0x5] =	wrdreg $0x9  }
0xb8: {  	_ =	task.clear_ibuf [dreg:s7], $0x6FFFF;
	_ =	strace $0x90000049  }
0xb9: {  	s29 =	simm.s32 $0x9;
	_ =	strace $0x8000004B  }
0xba: {  	_ =	swait.ge [sflag:s29], $0x1  }
0xbb: {  	[sflag:s29] =	ssyncadd.s32 $0xFFFFFFFF  }
0xbc: {  	_ =	strace $0x9000004B  }
0xbd: {  	_ =	sfence  }
0xbe: {  	s30 =	sld [smem:$0x0];
	_ =	sdelay $0x2  }
0xbf: {  	s31 =	sshll.u32 s1, $0xD;
	s1 =	sshrl.u32 s1, $0x2  }
0xc0: {  	s3 =	sand.u32 $0x4000, s31;
	s1 =	sadd.s32 s1, s30  }
0xc1: {  	s0 =	sor.u32 s3, s0;
	s1 =	sshll.u32 s1, $0x11  }
0xc2: {  	s0 =	sor.u32 s1, s0  }
0xc3: {  	s0 =	sadd.s32 $0x8F2B, s0  }
0xc4: {  	[sflag:s0] =	ssyncadd.remote.s32 $0x1  }
0xc5: {  	_ =	sfence.sel $0xFFFF  }
0xc6: {  	[dreg:$0x0] =	wrdreg $0xFFFFFFFF;
	(pc) =	sbr.abs _section_cstart, $3  }
0xc7: {  	[dreg:$0x1] =	wrdreg $0xFFFFFFFF  }
0xc8: {  	_ =	task.clear_ibuf [dreg:s7], $0x2FFFF;
	_ =	strace $0x9FFFFFFF  }
0xc9: {  	(tm) =	ssettm $0x7FFFFFFF  }
tec
execute0_lowered:
.L_overlay_start_1:
0x0: {  	(tag) =	ssettag $0x1  }
0x1: {  	s6 =	rddreg [dreg:$0x0]  }
0x2: {  	s8 =	rddreg [dreg:$0x1]  }
0x3: {  	s0 =	srdreg.scid;
	s2 =	stileid.u32  }
0x4: {  	s1 =	rddreg [dreg:$0x2];
	s3 =	simm.s32 $0x0;
	s10 =	smul.u32 $0x14000, s2  }
0x5: {  	s15 =	simm.s32 $0x1;
	s16 =	simm.s32 $0x0;
	s12 =	smul.u32 $0x50000, s2  }
0x6: {  	s5 =	sand.u32 $0x1, s0;
	s0 =	rddreg [dreg:$0x3];
	s14 =	smul.u32 $0x4F0, s2  }
0x7: {  	[smem:$0x7FF] =	sst s3;
	s4 =	sadd.s32 $0xEC00, s6;
	s9 =	smul.u32 $0x4F00, s5  }
0x8: {  	s13 =	sshll.u32 s2, $0x6;
	s7 =	smul.u32 $0x140000, s5;
	s30 =	ssub.s32 $0x2, s5  }
0x9: {  	_ =	strace $0x8000004A;
	s5 =	sadd.s32 $0x35E00, s6;
	s31 =	sshrl.u32 s30, $0x1  }
0xa: {  	s12 =	sshrl.u32 s12, $0x2;
	s11 =	sadd.s32 s9, s6;
	s7 =	sadd.s32 s10, s7  }
0xb: {  	s10 =	ssub.s32 s30, s31;
	s12 =	sadd.s32 s12, s1;
	s9 =	sadd.s32 s9, s8  }
0xc: {  	s7 =	sshrl.u32 s7, $0x3;
	s11 =	sadd.s32 s14, s11;
	s8 =	smax.u32 s10, $0x1  }
0xd: {  	s9 =	sadd.s32 s14, s9;
	s14 =	simm.s32 $0x100;
	s7 =	sadd.s32 s7, s6  }
0xe: {  	s6 =	sor.u32 $0x1C02, s13;
	s10 =	sadd.s32 $0x4E00, s11;
	s11 =	sshrl.u32 s12, $0x3  }
0xf: {  	s12 =	simm.s32 $0x2;
	s13 =	simm.s32 $0x80;
	s7 =	sadd.s32 $0x38600, s7  }
.LBB2_1:
0x10: {  	[spmem:s11], [sflag:s6] =	dma.local [hbm:s5], $0x2800  }
0x11: {  	_ =	swait.ge [sflag:s12], $0x2800  }
0x12: {  	[sflag:s12] =	ssyncset.done $0x0  }
0x13: {  	[sflag:s12] =	ssyncadd.s32 $0xFFFFD800  }
0x14: {  	s17 =	sadd.s32 $0x0, s10;
	[bflag:$0x0] =	sbarrier.arrive $0xFFFF  }
0x15: {  	[tilespmem:s3], [sflag:$0x2] =	stream.linear.gather [hbm4b:s17+s3], $0x80, $0x38;
	[tilespmem:$0x18100] =	vst v63  }
0x16: {  	_ =	swait.ge [sflag:s12], $0x80  }
0x17: {  	[sflag:s12] =	ssyncset.done $0x0  }
0x18: {  	s31 =	sadd.s32 $0x0, s9;
	[sflag:s12] =	ssyncadd.s32 $0xFFFFFF80  }
0x19: {  	[tilespmem:s13], [sflag:$0x2] =	stream.linear.gather [hbm4b:s31+s3], $0x80, $0x38;
	[tilespmem:$0x18100] =	vst v63  }
0x1a: {  	_ =	swait.ge [sflag:s12], $0x80  }
0x1b: {  	[sflag:s12] =	ssyncset.done $0x0  }
0x1c: {  	[sflag:s12] =	ssyncadd.s32 $0xFFFFFF80  }
0x1d: {  	[tilespmem:s14], [sflag:$0x1] =	stream.indirect.gather [hbm4b:s4+s13], $0x80, s3, s13, $0xb8;
	[tilespmem:$0x18100] =	vst v63  }
0x1e: {  	_ =	swait.ge [sflag:s15], $0x4000  }
0x1f: {  	[sflag:s15] =	ssyncset.done $0x0  }
0x20: {  	[sflag:s15] =	ssyncadd.s32 $0xFFFFC000  }
0x21: {  	[spmem:s1] =	stream.indirect.scatter.add.f32 [tilespmem:s14], [sflag:$0x2], $0x80, s13, s13, $0xb8;
	[tilespmem:$0x18100] =	vst v63  }
0x22: {  	_ =	swait.ge [sflag:s12], $0x4000  }
0x23: {  	s18 =	simm.s32 $0x20;
	s17 =	simm.s32 $0x10;
	[sflag:s12] =	ssyncset.done $0x0  }
.LBB2_2:
0x24: {  	s19 =	sadd.s32 s17, s10  }
0x25: {  	[sflag:s12] =	ssyncadd.s32 $0xFFFFC000;
	s20 =	smov.u32 s18;
	s21 =	sadd.s32 $0x10, s18  }
0x26: {  	[tilespmem:s3], [sflag:$0x2] =	stream.linear.gather [hbm4b:s19+s3], $0x80, $0x38;
	[tilespmem:$0x18100] =	vst v63  }
0x27: {  	p0 =	sne.s32 s18, $0x4E0;
	_ =	swait.ge [sflag:s12], $0x80  }
0x28: {  	[sflag:s12] =	ssyncset.done $0x0  }
0x29: {  	s18 =	sadd.s32 s17, s9;
	s17 =	smov.u32 s20;
	[sflag:s12] =	ssyncadd.s32 $0xFFFFFF80  }
0x2a: {  	[tilespmem:s13], [sflag:$0x2] =	stream.linear.gather [hbm4b:s18+s3], $0x80, $0x38;
	[tilespmem:$0x18100] =	vst v63  }
0x2b: {  	_ =	swait.ge [sflag:s12], $0x80  }
0x2c: {  	[sflag:s12] =	ssyncset.done $0x0  }
0x2d: {  	[sflag:s12] =	ssyncadd.s32 $0xFFFFFF80  }
0x2e: {  	[tilespmem:s14], [sflag:$0x1] =	stream.indirect.gather [hbm4b:s4+s13], $0x80, s3, s13, $0xb8;
	[tilespmem:$0x18100] =	vst v63  }
0x2f: {  	_ =	swait.ge [sflag:s15], $0x4000  }
.Ltmp0:
0x30: {  	[sflag:s15] =	ssyncset.done $0x0;
	(pc) =	sbr.rel @p0 .LBB2_2-.Ltmp0, $4  }
0x31: {  	[sflag:s15] =	ssyncadd.s32 $0xFFFFC000  }
0x32: {  	[spmem:s1] =	stream.indirect.scatter.add.f32 [tilespmem:s14], [sflag:$0x2], $0x80, s13, s13, $0xb8;
	[tilespmem:$0x18100] =	vst v63  }
0x33: {  	_ =	swait.ge [sflag:s12], $0x4000  }
0x34: {  	s18 =	smov.u32 s21;
	[sflag:s12] =	ssyncset.done $0x0  }
0x35: {  	s18 =	sadd.s32 s17, s10;
	[sflag:s12] =	ssyncadd.s32 $0xFFFFC000  }
0x36: {  	[tilespmem:s3], [sflag:$0x2] =	stream.linear.gather [hbm4b:s18+s3], $0x80, $0x38;
	[tilespmem:$0x18100] =	vst v63  }
0x37: {  	_ =	swait.ge [sflag:s12], $0x80  }
0x38: {  	[sflag:s12] =	ssyncset.done $0x0  }
0x39: {  	s31 =	sadd.s32 s17, s9;
	[sflag:s12] =	ssyncadd.s32 $0xFFFFFF80  }
0x3a: {  	[tilespmem:s13], [sflag:$0x2] =	stream.linear.gather [hbm4b:s31+s3], $0x80, $0x38;
	[tilespmem:$0x18100] =	vst v63  }
0x3b: {  	_ =	swait.ge [sflag:s12], $0x80  }
0x3c: {  	[sflag:s12] =	ssyncset.done $0x0  }
0x3d: {  	[sflag:s12] =	ssyncadd.s32 $0xFFFFFF80  }
0x3e: {  	[tilespmem:s14], [sflag:$0x1] =	stream.indirect.gather [hbm4b:s4+s13], $0x80, s3, s13, $0xb8;
	[tilespmem:$0x18100] =	vst v63  }
0x3f: {  	_ =	swait.ge [sflag:s15], $0x4000  }
0x40: {  	[sflag:s15] =	ssyncset.done $0x0  }
0x41: {  	[sflag:s15] =	ssyncadd.s32 $0xFFFFC000  }
0x42: {  	[spmem:s1] =	stream.indirect.scatter.add.f32 [tilespmem:s14], [sflag:$0x2], $0x80, s13, s13, $0xb8;
	[tilespmem:$0x18100] =	vst v63  }
0x43: {  	_ =	swait.ge [sflag:s12], $0x4000  }
0x44: {  	s16 =	sadd.s32 $0x1, s16;
	[sflag:s12] =	ssyncset.done $0x0  }
0x45: {  	p0 =	sne.s32 s16, s8;
	[sflag:s12] =	ssyncadd.s32 $0xFFFFC000  }
.Ltmp1:
0x46: {  	[bflag:$0x0] =	sbarrier.arrive $0xFFFF;
	(pc) =	sbr.rel @p0 .LBB2_1-.Ltmp1, $4  }
0x47: {  	[hbm:s7], [sflag:s6] =	dma.local [spmem:s11], $0x2800  }
0x48: {  	_ =	swait.ge [sflag:s12], $0x2800  }
0x49: {  	[sflag:s12] =	ssyncset.done $0x0  }
0x4a: {  	[sflag:s12] =	ssyncadd.s32 $0xFFFFD800  }
0x4b: {  	_ =	sfence.sel $0x180000  }
0x4c: {  	[bflag:$0x0] =	sbarrier.arrive $0xFFFF  }
0x4d: {  	p0 =	sne.s32 s2, $0x0;
	_ =	strace $0x9000004A  }
0x4e: {  	s0 =	sadd.s32 @!p0 $0x100000, s0;
	[bflag:$0x2] =	sbarrier.arrive $0xFFFF  }
0x4f: {  	[sflag:s0] =	ssyncadd.tile.s32 @!p0 $0x1;
	_ =	shalt  }
.Lfunc_end2:
_tile_overlayer_lowered:
.L_overlay_start_2:
0x50: {  	(tag) =	ssettag $0x2  }
0x51: {  	s0 =	rddreg [dreg:$0x0];
	s2 =	stileid.u32  }
0x52: {  	s1 =	rddreg [dreg:$0x1];
	p0 =	sne.s32 s2, $0x0  }
0x53: {  	s3 =	rddreg [dreg:$0x2];
	[bflag:$0x3] =	sbarrier.arrive $0xFFFF;
	s2 =	simm.s32 @!p0 $0x1C02  }
0x54: {  	[timem:s3], [sflag:s2] =	dma.local @!p0 [hbm:s0], s1  }
0x55: {  	s0 =	simm.s32 @!p0 $0x2  }
0x56: {  	_ =	swait.ge @!p0 [sflag:s0], s1  }
0x57: {  	s1 =	ssub.s32 @!p0 $0x0, s1;
	[sflag:s0] =	ssyncset.done @!p0 $0x0  }
0x58: {  	[sflag:s0] =	ssyncadd.s32 @!p0 s1  }
0x59: {  	[bflag:$0x3] =	sbarrier.arrive $0xFFFF  }
0x5a: {  	_ =	shalt  }

// kernel: kernel.19.cloned.1.call-start
scs
__scs_entry_jumppad:
0x0: {  	(pc) =	sbr.rel $0x88, $3  }
0x1: {  	(tag) =	ssettag $0x0;
	lr =	simm.s32 $0x1  }
0x2: {  	[smem:$0x3F90] =	sst lr;
	_ =	strace $0xD0000000  }
0x3: {  	_ = 	snop  }
0x4: {  	_ = 	snop  }
0x5: {  	_ = 	snop  }
0x6: {  	_ = 	snop  }
0x7: {  	_ = 	snop  }
__scs_overlays_trampoline_lowered:
0x8: {  	[smem:$0x3F9F] =	sst s0  }
0x9: {  	[smem:$0x3FA0] =	sst s1  }
0xa: {  	[smem:$0x3FA1] =	sst s2  }
0xb: {  	[smem:$0x3FA2] =	sst s3  }
0xc: {  	[smem:$0x3FA3] =	sst s4  }
0xd: {  	[smem:$0x3FA4] =	sst s5  }
0xe: {  	[smem:$0x3FA5] =	sst s6  }
0xf: {  	[smem:$0x3FA6] =	sst s7  }
0x10: {  	[smem:$0x3FA7] =	sst s8  }
0x11: {  	[smem:$0x3FA8] =	sst s9;
	s0 =	simm.s32 @!p0 $0x0  }
0x12: {  	s1 =	sld [smem:$0x3F8E];
	s0 =	simm.s32 @p0 $0x1  }
0x13: {  	[smem:$0x3FA9] =	sst s0;
	s0 =	simm.s32 @!p1 $0x0  }
0x14: {  	s2 =	sld [smem:$0x3F8D];
	s0 =	simm.s32 @p1 $0x1  }
0x15: {  	[smem:$0x3FAA] =	sst s0;
	s0 =	simm.s32 @!p2 $0x0  }
0x16: {  	s3 =	sld [smem:$0x3FDB];
	s0 =	simm.s32 @p2 $0x1  }
0x17: {  	s4 =	simm.s32 $0x1BF5;
	[smem:$0x3FAC] =	sst s0  }
0x18: {  	s0 =	sld [smem:$0x3F8F];
	_ =	swait.ge [sflag:s4], $0x0  }
0x19: {  	s7 =	sld [smem:$0x3F90]  }
0x1a: {  	s8 =	sadd.s32 $0xFFFFE003, lr  }
0x1b: {  	s9 =	sadd.s32 $0xFFFFFEF7, lr;
	s5 =	simm.s32 $0xFFFFFFFF;
	p2 =	slt.u32 s8, $0xFFFFF086  }
0x1c: {  	p1 =	slt.u32 s9, $0xF7A;
	s5 =	simm.s32 @!p2 $0x0  }
0x1d: {  	s5 =	simm.s32 @p1 $0x1;
	p0 =	seq.s32 s7, s2  }
0x1e: {  	s7 =	smul.u32 @!p0 $0xF7A, s2;
	p2 =	seq.s32 @!p0 s5, $0x0  }
0x1f: {  	s9 =	smul.u32 $0xF7A, s1;
	s8 =	simm.s32 @!p0 $0x1BF5;
	p2 =	por !p2, p0  }
0x20: {  	[sflag:s8] =	ssyncset.s32 @!p0 $0xFFFFF086;
	s6 =	sadd.s32 @!p0 s3, s7;
	s7 =	simm.s32 @!p0 $0x108  }
0x21: {  	s3 =	sadd.s32 s3, s9;
	s6 =	sadd.s32 @!p0 $0x88, s6;
	s7 =	simm.s32 @p2 $0x1082  }
0x22: {  	[simem:s7], [sflag:s8] =	dma.local @!p0 [hbm:s6], $0xF7A  }
0x23: {  	s9 =	sor.u32 $0xD0000000, s2;
	s6 =	simm.s32 $0x108;
	_ =	swait.ge @!p0 [sflag:s8], $0x0  }
0x24: {  	s3 =	sadd.s32 $0x88, s3;
	s6 =	simm.s32 @!p1 $0x1082;
	[sflag:s4] =	ssyncset.s32 $0xFFFFF086  }
0x25: {  	[simem:s6], [sflag:s4] =	dma.local [hbm:s3], $0xF7A  }
0x26: {  	[smem:$0x3F90] =	sst s1;
	(tag) =	ssettag s2;
	_ =	strace s9  }
0x27: {  	s1 =	sld [smem:$0x3FA0]  }
0x28: {  	s2 =	sld [smem:$0x3FA1]  }
0x29: {  	s4 =	sld [smem:$0x3FA3]  }
0x2a: {  	p0 =	seq.s32 s5, $0x0;
	s5 =	sld [smem:$0x3FA4]  }
0x2b: {  	s6 =	sld [smem:$0x3FA5]  }
0x2c: {  	s7 =	sld [smem:$0x3FA6]  }
0x2d: {  	s3 =	simm.s32 $0x108;
	s8 =	sld [smem:$0x3FA7]  }
0x2e: {  	s3 =	simm.s32 @!p0 $0x1082;
	s9 =	sld [smem:$0x3FA8]  }
0x2f: {  	lr =	sadd.s32 s0, s3;
	s0 =	sld [smem:$0x3F9F]  }
0x30: {  	s3 =	sld [smem:$0x3FA2]  }
0x31: {  	[smem:$0x3FAB] =	sst s10  }
0x32: {  	s10 =	sld [smem:$0x3FA9];
	_ =	sdelay $0x3  }
0x33: {  	p0 =	seq.s32 s10, $0x1;
	s10 =	sld [smem:$0x3FAB];
	_ =	sdelay $0x3  }
0x34: {  	[smem:$0x3FAB] =	sst s10  }
0x35: {  	s10 =	sld [smem:$0x3FAA];
	_ =	sdelay $0x3  }
0x36: {  	p1 =	seq.s32 s10, $0x1;
	s10 =	sld [smem:$0x3FAB];
	_ =	sdelay $0x3  }
0x37: {  	[smem:$0x3FAB] =	sst s10  }
0x38: {  	s10 =	sld [smem:$0x3FAC]  }
0x39: {  	_ = 	snop;
	(pc) =	sbr.ind lr, $3  }
0x3a: {  	_ = 	snop  }
0x3b: {  	_ = 	snop  }
0x3c: {  	p2 =	seq.s32 s10, $0x1;
	s10 =	sld [smem:$0x3FAB]  }
0x3d: {  	_ =	shalt  }
0x3e: {  	_ =	shalt  }
0x3f: {  	_ =	shalt  }
0x40: {  	_ =	shalt  }
0x41: {  	_ =	shalt  }
0x42: {  	_ =	shalt  }
0x43: {  	_ =	shalt  }
0x44: {  	_ =	shalt  }
0x45: {  	_ =	shalt  }
0x46: {  	_ =	shalt  }
0x47: {  	_ =	shalt  }
0x48: {  	_ =	shalt  }
0x49: {  	_ =	shalt  }
0x4a: {  	_ =	shalt  }
0x4b: {  	_ =	shalt  }
0x4c: {  	_ =	shalt  }
0x4d: {  	_ =	shalt  }
0x4e: {  	_ =	shalt  }
0x4f: {  	_ =	shalt  }
0x50: {  	_ =	shalt  }
0x51: {  	_ =	shalt  }
0x52: {  	_ =	shalt  }
0x53: {  	_ =	shalt  }
0x54: {  	_ =	shalt  }
0x55: {  	_ =	shalt  }
0x56: {  	_ =	shalt  }
0x57: {  	_ =	shalt  }
0x58: {  	_ =	shalt  }
0x59: {  	_ =	shalt  }
0x5a: {  	_ =	shalt  }
0x5b: {  	_ =	shalt  }
0x5c: {  	_ =	shalt  }
0x5d: {  	_ =	shalt  }
0x5e: {  	_ =	shalt  }
0x5f: {  	_ =	shalt  }
0x60: {  	_ =	shalt  }
0x61: {  	_ =	shalt  }
0x62: {  	_ =	shalt  }
0x63: {  	_ =	shalt  }
0x64: {  	_ =	shalt  }
0x65: {  	_ =	shalt  }
0x66: {  	_ =	shalt  }
0x67: {  	_ =	shalt  }
0x68: {  	_ =	shalt  }
0x69: {  	_ =	shalt  }
0x6a: {  	_ =	shalt  }
0x6b: {  	_ =	shalt  }
0x6c: {  	_ =	shalt  }
0x6d: {  	_ =	shalt  }
0x6e: {  	_ =	shalt  }
0x6f: {  	_ =	shalt  }
0x70: {  	_ =	shalt  }
0x71: {  	_ =	shalt  }
0x72: {  	_ =	shalt  }
0x73: {  	_ =	shalt  }
0x74: {  	_ =	shalt  }
0x75: {  	_ =	shalt  }
0x76: {  	_ =	shalt  }
0x77: {  	_ =	shalt  }
0x78: {  	_ =	shalt  }
0x79: {  	_ =	shalt  }
0x7a: {  	_ =	shalt  }
0x7b: {  	_ =	shalt  }
0x7c: {  	_ =	shalt  }
0x7d: {  	_ =	shalt  }
0x7e: {  	_ =	shalt  }
0x7f: {  	_ =	shalt  }
0x80: {  	_ =	shalt  }
0x81: {  	_ =	shalt  }
0x82: {  	_ =	shalt  }
0x83: {  	_ =	shalt  }
0x84: {  	_ =	shalt  }
0x85: {  	_ =	shalt  }
0x86: {  	_ =	shalt  }
0x87: {  	_ =	shalt  }
.Lfunc_end0:
.L_simem_size_0:
called_computation.2_lowered:
.L_overlay_start_0:
0x88: {  	s2 =	sld [smem:$0x3FD9]  }
0x89: {  	s3 =	sld [smem:$0x3FFE];
	_ =	sdelay $0x1  }
0x8a: {  	s1 =	srdreg.scid  }
0x8b: {  	s0 =	sand.u32 $0x1, s1  }
0x8c: {  	s14 =	sshll.u32 s0, $0xA;
	s2 =	sadd.s32 s3, s2  }
0x8d: {  	s2 =	sadd.s32 s2, s14  }
0x8e: {  	[smem:$0x3FB7] =	sst s2  }
0x8f: {  	_ = 	snop  }
0x90: {  	s2 =	sld [smem:$0x3FD0];
	_ =	sdelay $0x2  }
0x91: {  	s15 =	simm.s32 $0xA;
	s4 =	simm.s32 $0x10  }
0x92: {  	[smem:s4], [sflag:s15] =	dma.local [hbm:s2], $0x1  }
0x93: {  	_ =	swait.eq [sflag:s15], $0x1  }
0x94: {  	[sflag:s15] =	ssyncset.done $0x0  }
0x95: {  	[sflag:s15] =	ssyncadd.s32 $0xFFFFFFFF  }
0x96: {  	s16 =	sld [smem:$0x10];
	(tm) =	ssettm $0x1  }
0x97: {  	s17 =	sld [smem:$0x3FFB];
	_ =	sdelay $0x3  }
0x98: {  	_ =	strace s17  }
0x99: {  	s3 =	sld [smem:$0x3FFC];
	_ =	sdelay $0x3  }
0x9a: {  	_ =	strace s3  }
0x9b: {  	s3 =	sld [smem:$0x3FFD];
	_ =	sdelay $0x3  }
0x9c: {  	_ =	strace s3  }
0x9d: {  	_ =	strace $0x8FFFFFFF  }
0x9e: {  	s18 =	sld [smem:$0x3FDB];
	_ =	sdelay $0x1  }
0x9f: {  	s19 =	simm.s32 $_scs_section_size  }
0xa0: {  	s5 =	simm.s32 $_size__tile_overlayer_lowered;
	s6 =	simm.s32 $_tile_overlayer_lowered  }
0xa1: {  	s22 =	simm.s32 $0x1BFF;
	s21 =	sshll.u32 s6, $0x1;
	s3 =	sadd.s32 s19, s18  }
0xa2: {  	s7 =	simm.s32 $0x0;
	s20 =	sshll.u32 s5, $0x1;
	s5 =	sadd.s32 s21, s3  }
0xa3: {  	[timem:s7], [sflag:s22] =	dma.local [hbm:s5], s20  }
0xa4: {  	_ =	swait.ge [sflag:s22], s20  }
0xa5: {  	s4 =	ssub.s32 $0x0, s20;
	[sflag:s22] =	ssyncset.done $0x0  }
0xa6: {  	[sflag:s22] =	ssyncadd.s32 s4;
	_ =	sdelay $0x1  }
0xa7: {  	s23 =	simm.s32 $0x1B8B  }
0xa8: {  	_ =	swait.ge [sflag:s23], $0x1  }
0xa9: {  	[sflag:s23] =	ssyncset.done $0x0  }
0xaa: {  	s25 =	simm.s32 $0x1B8E;
	s24 =	sld [smem:$0x3FFE];
	[sflag:s23] =	ssyncadd.s32 $0xFFFFFFFF  }
0xab: {  	s26 =	simm.s32 $execute0_lowered;
	[smem:$0x3FD2] =	sst s25  }
0xac: {  	s5 =	sshll.u32 s26, $0x1;
	_ =	strace $0x8000004C;
	[dreg:$0x1] =	wrdreg $0xFFFFFFFF  }
0xad: {  	s28 =	simm.s32 $_size_execute0_lowered;
	s3 =	sadd.s32 s3, s5;
	[dreg:$0x0] =	wrdreg $0x0  }
0xae: {  	s5 =	sshll.u32 s28, $0x1;
	[dreg:$0x2] =	wrdreg s3  }
0xaf: {  	[dreg:$0x3] =	wrdreg s5  }
0xb0: {  	[dreg:$0x4] =	wrdreg $0xC0  }
0xb1: {  	_ =	task [dreg:s7], $0x5FFFF  }
0xb2: {  	[dreg:$0x1] =	wrdreg $0xFFFFFFFF  }
0xb3: {  	[dreg:$0x0] =	wrdreg $0x60  }
0xb4: {  	[dreg:$0x2] =	wrdreg s24  }
0xb5: {  	[dreg:$0x3] =	wrdreg s16  }
0xb6: {  	[dreg:$0x4] =	wrdreg $0x41000  }
0xb7: {  	[dreg:$0x5] =	wrdreg $0x9  }
0xb8: {  	_ =	task.clear_ibuf [dreg:s7], $0x6FFFF;
	_ =	strace $0x9000004C  }
0xb9: {  	s29 =	simm.s32 $0x9;
	_ =	strace $0x8000004E  }
0xba: {  	_ =	swait.ge [sflag:s29], $0x1  }
0xbb: {  	[sflag:s29] =	ssyncadd.s32 $0xFFFFFFFF  }
0xbc: {  	_ =	strace $0x9000004E  }
0xbd: {  	_ =	sfence  }
0xbe: {  	s30 =	sld [smem:$0x0];
	_ =	sdelay $0x2  }
0xbf: {  	s31 =	sshll.u32 s1, $0xD;
	s1 =	sshrl.u32 s1, $0x2  }
0xc0: {  	s3 =	sand.u32 $0x4000, s31;
	s1 =	sadd.s32 s1, s30  }
0xc1: {  	s0 =	sor.u32 s3, s0;
	s1 =	sshll.u32 s1, $0x11  }
0xc2: {  	s0 =	sor.u32 s1, s0  }
0xc3: {  	s0 =	sadd.s32 $0x8F2B, s0  }
0xc4: {  	[sflag:s0] =	ssyncadd.remote.s32 $0x1  }
0xc5: {  	_ =	sfence.sel $0xFFFF  }
0xc6: {  	[dreg:$0x0] =	wrdreg $0xFFFFFFFF;
	(pc) =	sbr.abs _section_cstart, $3  }
0xc7: {  	[dreg:$0x1] =	wrdreg $0xFFFFFFFF  }
0xc8: {  	_ =	task.clear_ibuf [dreg:s7], $0x2FFFF;
	_ =	strace $0x9FFFFFFF  }
0xc9: {  	(tm) =	ssettm $0x7FFFFFFF  }
tec
execute0_lowered:
.L_overlay_start_1:
0x0: {  	(tag) =	ssettag $0x1  }
0x1: {  	s6 =	rddreg [dreg:$0x0]  }
0x2: {  	s8 =	rddreg [dreg:$0x1]  }
0x3: {  	s0 =	srdreg.scid;
	s2 =	stileid.u32  }
0x4: {  	s1 =	rddreg [dreg:$0x2];
	s3 =	simm.s32 $0x0;
	s10 =	smul.u32 $0x14000, s2  }
0x5: {  	s15 =	simm.s32 $0x1;
	s16 =	simm.s32 $0x0;
	s12 =	smul.u32 $0x50000, s2  }
0x6: {  	s5 =	sand.u32 $0x1, s0;
	s0 =	rddreg [dreg:$0x3];
	s14 =	smul.u32 $0x4F0, s2  }
0x7: {  	[smem:$0x7FF] =	sst s3;
	s4 =	sadd.s32 $0xEC00, s6;
	s9 =	smul.u32 $0x4F00, s5  }
0x8: {  	s13 =	sshll.u32 s2, $0x6;
	s7 =	smul.u32 $0x140000, s5;
	s30 =	ssub.s32 $0x2, s5  }
0x9: {  	_ =	strace $0x8000004D;
	s5 =	sadd.s32 $0x35E00, s6;
	s31 =	sshrl.u32 s30, $0x1  }
0xa: {  	s12 =	sshrl.u32 s12, $0x2;
	s11 =	sadd.s32 s9, s6;
	s7 =	sadd.s32 s10, s7  }
0xb: {  	s10 =	ssub.s32 s30, s31;
	s12 =	sadd.s32 s12, s1;
	s9 =	sadd.s32 s9, s8  }
0xc: {  	s7 =	sshrl.u32 s7, $0x3;
	s11 =	sadd.s32 s14, s11;
	s8 =	smax.u32 s10, $0x1  }
0xd: {  	s9 =	sadd.s32 s14, s9;
	s14 =	simm.s32 $0x100;
	s7 =	sadd.s32 s7, s6  }
0xe: {  	s6 =	sor.u32 $0x1C02, s13;
	s10 =	sadd.s32 $0x4E00, s11;
	s11 =	sshrl.u32 s12, $0x3  }
0xf: {  	s12 =	simm.s32 $0x2;
	s13 =	simm.s32 $0x80;
	s7 =	sadd.s32 $0x38600, s7  }
.LBB2_1:
0x10: {  	[spmem:s11], [sflag:s6] =	dma.local [hbm:s5], $0x2800  }
0x11: {  	_ =	swait.ge [sflag:s12], $0x2800  }
0x12: {  	[sflag:s12] =	ssyncset.done $0x0  }
0x13: {  	[sflag:s12] =	ssyncadd.s32 $0xFFFFD800  }
0x14: {  	s17 =	sadd.s32 $0x0, s10;
	[bflag:$0x0] =	sbarrier.arrive $0xFFFF  }
0x15: {  	[tilespmem:s3], [sflag:$0x2] =	stream.linear.gather [hbm4b:s17+s3], $0x80, $0x38;
	[tilespmem:$0x18100] =	vst v63  }
0x16: {  	_ =	swait.ge [sflag:s12], $0x80  }
0x17: {  	[sflag:s12] =	ssyncset.done $0x0  }
0x18: {  	s31 =	sadd.s32 $0x0, s9;
	[sflag:s12] =	ssyncadd.s32 $0xFFFFFF80  }
0x19: {  	[tilespmem:s13], [sflag:$0x2] =	stream.linear.gather [hbm4b:s31+s3], $0x80, $0x38;
	[tilespmem:$0x18100] =	vst v63  }
0x1a: {  	_ =	swait.ge [sflag:s12], $0x80  }
0x1b: {  	[sflag:s12] =	ssyncset.done $0x0  }
0x1c: {  	[sflag:s12] =	ssyncadd.s32 $0xFFFFFF80  }
0x1d: {  	[tilespmem:s14], [sflag:$0x1] =	stream.indirect.gather [hbm4b:s4+s13], $0x80, s3, s13, $0xb8;
	[tilespmem:$0x18100] =	vst v63  }
0x1e: {  	_ =	swait.ge [sflag:s15], $0x4000  }
0x1f: {  	[sflag:s15] =	ssyncset.done $0x0  }
0x20: {  	[sflag:s15] =	ssyncadd.s32 $0xFFFFC000  }
0x21: {  	[spmem:s1] =	stream.indirect.scatter.add.f32 [tilespmem:s14], [sflag:$0x2], $0x80, s13, s13, $0xb8;
	[tilespmem:$0x18100] =	vst v63  }
0x22: {  	_ =	swait.ge [sflag:s12], $0x4000  }
0x23: {  	s18 =	simm.s32 $0x20;
	s17 =	simm.s32 $0x10;
	[sflag:s12] =	ssyncset.done $0x0  }
.LBB2_2:
0x24: {  	s19 =	sadd.s32 s17, s10  }
0x25: {  	[sflag:s12] =	ssyncadd.s32 $0xFFFFC000;
	s20 =	smov.u32 s18;
	s21 =	sadd.s32 $0x10, s18  }
0x26: {  	[tilespmem:s3], [sflag:$0x2] =	stream.linear.gather [hbm4b:s19+s3], $0x80, $0x38;
	[tilespmem:$0x18100] =	vst v63  }
0x27: {  	p0 =	sne.s32 s18, $0x4E0;
	_ =	swait.ge [sflag:s12], $0x80  }
0x28: {  	[sflag:s12] =	ssyncset.done $0x0  }
0x29: {  	s18 =	sadd.s32 s17, s9;
	s17 =	smov.u32 s20;
	[sflag:s12] =	ssyncadd.s32 $0xFFFFFF80  }
0x2a: {  	[tilespmem:s13], [sflag:$0x2] =	stream.linear.gather [hbm4b:s18+s3], $0x80, $0x38;
	[tilespmem:$0x18100] =	vst v63  }
0x2b: {  	_ =	swait.ge [sflag:s12], $0x80  }
0x2c: {  	[sflag:s12] =	ssyncset.done $0x0  }
0x2d: {  	[sflag:s12] =	ssyncadd.s32 $0xFFFFFF80  }
0x2e: {  	[tilespmem:s14], [sflag:$0x1] =	stream.indirect.gather [hbm4b:s4+s13], $0x80, s3, s13, $0xb8;
	[tilespmem:$0x18100] =	vst v63  }
0x2f: {  	_ =	swait.ge [sflag:s15], $0x4000  }
.Ltmp0:
0x30: {  	[sflag:s15] =	ssyncset.done $0x0;
	(pc) =	sbr.rel @p0 .LBB2_2-.Ltmp0, $4  }
0x31: {  	[sflag:s15] =	ssyncadd.s32 $0xFFFFC000  }
0x32: {  	[spmem:s1] =	stream.indirect.scatter.add.f32 [tilespmem:s14], [sflag:$0x2], $0x80, s13, s13, $0xb8;
	[tilespmem:$0x18100] =	vst v63  }
0x33: {  	_ =	swait.ge [sflag:s12], $0x4000  }
0x34: {  	s18 =	smov.u32 s21;
	[sflag:s12] =	ssyncset.done $0x0  }
0x35: {  	s18 =	sadd.s32 s17, s10;
	[sflag:s12] =	ssyncadd.s32 $0xFFFFC000  }
0x36: {  	[tilespmem:s3], [sflag:$0x2] =	stream.linear.gather [hbm4b:s18+s3], $0x80, $0x38;
	[tilespmem:$0x18100] =	vst v63  }
0x37: {  	_ =	swait.ge [sflag:s12], $0x80  }
0x38: {  	[sflag:s12] =	ssyncset.done $0x0  }
0x39: {  	s31 =	sadd.s32 s17, s9;
	[sflag:s12] =	ssyncadd.s32 $0xFFFFFF80  }
0x3a: {  	[tilespmem:s13], [sflag:$0x2] =	stream.linear.gather [hbm4b:s31+s3], $0x80, $0x38;
	[tilespmem:$0x18100] =	vst v63  }
0x3b: {  	_ =	swait.ge [sflag:s12], $0x80  }
0x3c: {  	[sflag:s12] =	ssyncset.done $0x0  }
0x3d: {  	[sflag:s12] =	ssyncadd.s32 $0xFFFFFF80  }
0x3e: {  	[tilespmem:s14], [sflag:$0x1] =	stream.indirect.gather [hbm4b:s4+s13], $0x80, s3, s13, $0xb8;
	[tilespmem:$0x18100] =	vst v63  }
0x3f: {  	_ =	swait.ge [sflag:s15], $0x4000  }
0x40: {  	[sflag:s15] =	ssyncset.done $0x0  }
0x41: {  	[sflag:s15] =	ssyncadd.s32 $0xFFFFC000  }
0x42: {  	[spmem:s1] =	stream.indirect.scatter.add.f32 [tilespmem:s14], [sflag:$0x2], $0x80, s13, s13, $0xb8;
	[tilespmem:$0x18100] =	vst v63  }
0x43: {  	_ =	swait.ge [sflag:s12], $0x4000  }
0x44: {  	s16 =	sadd.s32 $0x1, s16;
	[sflag:s12] =	ssyncset.done $0x0  }
0x45: {  	p0 =	sne.s32 s16, s8;
	[sflag:s12] =	ssyncadd.s32 $0xFFFFC000  }
.Ltmp1:
0x46: {  	[bflag:$0x0] =	sbarrier.arrive $0xFFFF;
	(pc) =	sbr.rel @p0 .LBB2_1-.Ltmp1, $4  }
0x47: {  	[hbm:s7], [sflag:s6] =	dma.local [spmem:s11], $0x2800  }
0x48: {  	_ =	swait.ge [sflag:s12], $0x2800  }
0x49: {  	[sflag:s12] =	ssyncset.done $0x0  }
0x4a: {  	[sflag:s12] =	ssyncadd.s32 $0xFFFFD800  }
0x4b: {  	_ =	sfence.sel $0x180000  }
0x4c: {  	[bflag:$0x0] =	sbarrier.arrive $0xFFFF  }
0x4d: {  	p0 =	sne.s32 s2, $0x0;
	_ =	strace $0x9000004D  }
0x4e: {  	s0 =	sadd.s32 @!p0 $0x100000, s0;
	[bflag:$0x2] =	sbarrier.arrive $0xFFFF  }
0x4f: {  	[sflag:s0] =	ssyncadd.tile.s32 @!p0 $0x1;
	_ =	shalt  }
.Lfunc_end2:
_tile_overlayer_lowered:
.L_overlay_start_2:
0x50: {  	(tag) =	ssettag $0x2  }
0x51: {  	s0 =	rddreg [dreg:$0x0];
	s2 =	stileid.u32  }
0x52: {  	s1 =	rddreg [dreg:$0x1];
	p0 =	sne.s32 s2, $0x0  }
0x53: {  	s3 =	rddreg [dreg:$0x2];
	[bflag:$0x3] =	sbarrier.arrive $0xFFFF;
	s2 =	simm.s32 @!p0 $0x1C02  }
0x54: {  	[timem:s3], [sflag:s2] =	dma.local @!p0 [hbm:s0], s1  }
0x55: {  	s0 =	simm.s32 @!p0 $0x2  }
0x56: {  	_ =	swait.ge @!p0 [sflag:s0], s1  }
0x57: {  	s1 =	ssub.s32 @!p0 $0x0, s1;
	[sflag:s0] =	ssyncset.done @!p0 $0x0  }
0x58: {  	[sflag:s0] =	ssyncadd.s32 @!p0 s1  }
0x59: {  	[bflag:$0x3] =	sbarrier.arrive $0xFFFF  }
0x5a: {  	_ =	shalt  }

// kernel: kernel.22.cloned.1.call-start
scs
__scs_entry_jumppad:
0x0: {  	(pc) =	sbr.rel $0x88, $3  }
0x1: {  	(tag) =	ssettag $0x0;
	lr =	simm.s32 $0x1  }
0x2: {  	[smem:$0x3F90] =	sst lr;
	_ =	strace $0xD0000000  }
0x3: {  	_ = 	snop  }
0x4: {  	_ = 	snop  }
0x5: {  	_ = 	snop  }
0x6: {  	_ = 	snop  }
0x7: {  	_ = 	snop  }
__scs_overlays_trampoline_lowered:
0x8: {  	[smem:$0x3F9F] =	sst s0  }
0x9: {  	[smem:$0x3FA0] =	sst s1  }
0xa: {  	[smem:$0x3FA1] =	sst s2  }
0xb: {  	[smem:$0x3FA2] =	sst s3  }
0xc: {  	[smem:$0x3FA3] =	sst s4  }
0xd: {  	[smem:$0x3FA4] =	sst s5  }
0xe: {  	[smem:$0x3FA5] =	sst s6  }
0xf: {  	[smem:$0x3FA6] =	sst s7  }
0x10: {  	[smem:$0x3FA7] =	sst s8  }
0x11: {  	[smem:$0x3FA8] =	sst s9;
	s0 =	simm.s32 @!p0 $0x0  }
0x12: {  	s1 =	sld [smem:$0x3F8E];
	s0 =	simm.s32 @p0 $0x1  }
0x13: {  	[smem:$0x3FA9] =	sst s0;
	s0 =	simm.s32 @!p1 $0x0  }
0x14: {  	s2 =	sld [smem:$0x3F8D];
	s0 =	simm.s32 @p1 $0x1  }
0x15: {  	[smem:$0x3FAA] =	sst s0;
	s0 =	simm.s32 @!p2 $0x0  }
0x16: {  	s3 =	sld [smem:$0x3FDB];
	s0 =	simm.s32 @p2 $0x1  }
0x17: {  	s4 =	simm.s32 $0x1BF5;
	[smem:$0x3FAC] =	sst s0  }
0x18: {  	s0 =	sld [smem:$0x3F8F];
	_ =	swait.ge [sflag:s4], $0x0  }
0x19: {  	s7 =	sld [smem:$0x3F90]  }
0x1a: {  	s8 =	sadd.s32 $0xFFFFE003, lr  }
0x1b: {  	s9 =	sadd.s32 $0xFFFFFEF7, lr;
	s5 =	simm.s32 $0xFFFFFFFF;
	p2 =	slt.u32 s8, $0xFFFFF086  }
0x1c: {  	p1 =	slt.u32 s9, $0xF7A;
	s5 =	simm.s32 @!p2 $0x0  }
0x1d: {  	s5 =	simm.s32 @p1 $0x1;
	p0 =	seq.s32 s7, s2  }
0x1e: {  	s7 =	smul.u32 @!p0 $0xF7A, s2;
	p2 =	seq.s32 @!p0 s5, $0x0  }
0x1f: {  	s9 =	smul.u32 $0xF7A, s1;
	s8 =	simm.s32 @!p0 $0x1BF5;
	p2 =	por !p2, p0  }
0x20: {  	[sflag:s8] =	ssyncset.s32 @!p0 $0xFFFFF086;
	s6 =	sadd.s32 @!p0 s3, s7;
	s7 =	simm.s32 @!p0 $0x108  }
0x21: {  	s3 =	sadd.s32 s3, s9;
	s6 =	sadd.s32 @!p0 $0x88, s6;
	s7 =	simm.s32 @p2 $0x1082  }
0x22: {  	[simem:s7], [sflag:s8] =	dma.local @!p0 [hbm:s6], $0xF7A  }
0x23: {  	s9 =	sor.u32 $0xD0000000, s2;
	s6 =	simm.s32 $0x108;
	_ =	swait.ge @!p0 [sflag:s8], $0x0  }
0x24: {  	s3 =	sadd.s32 $0x88, s3;
	s6 =	simm.s32 @!p1 $0x1082;
	[sflag:s4] =	ssyncset.s32 $0xFFFFF086  }
0x25: {  	[simem:s6], [sflag:s4] =	dma.local [hbm:s3], $0xF7A  }
0x26: {  	[smem:$0x3F90] =	sst s1;
	(tag) =	ssettag s2;
	_ =	strace s9  }
0x27: {  	s1 =	sld [smem:$0x3FA0]  }
0x28: {  	s2 =	sld [smem:$0x3FA1]  }
0x29: {  	s4 =	sld [smem:$0x3FA3]  }
0x2a: {  	p0 =	seq.s32 s5, $0x0;
	s5 =	sld [smem:$0x3FA4]  }
0x2b: {  	s6 =	sld [smem:$0x3FA5]  }
0x2c: {  	s7 =	sld [smem:$0x3FA6]  }
0x2d: {  	s3 =	simm.s32 $0x108;
	s8 =	sld [smem:$0x3FA7]  }
0x2e: {  	s3 =	simm.s32 @!p0 $0x1082;
	s9 =	sld [smem:$0x3FA8]  }
0x2f: {  	lr =	sadd.s32 s0, s3;
	s0 =	sld [smem:$0x3F9F]  }
0x30: {  	s3 =	sld [smem:$0x3FA2]  }
0x31: {  	[smem:$0x3FAB] =	sst s10  }
0x32: {  	s10 =	sld [smem:$0x3FA9];
	_ =	sdelay $0x3  }
0x33: {  	p0 =	seq.s32 s10, $0x1;
	s10 =	sld [smem:$0x3FAB];
	_ =	sdelay $0x3  }
0x34: {  	[smem:$0x3FAB] =	sst s10  }
0x35: {  	s10 =	sld [smem:$0x3FAA];
	_ =	sdelay $0x3  }
0x36: {  	p1 =	seq.s32 s10, $0x1;
	s10 =	sld [smem:$0x3FAB];
	_ =	sdelay $0x3  }
0x37: {  	[smem:$0x3FAB] =	sst s10  }
0x38: {  	s10 =	sld [smem:$0x3FAC]  }
0x39: {  	_ = 	snop;
	(pc) =	sbr.ind lr, $3  }
0x3a: {  	_ = 	snop  }
0x3b: {  	_ = 	snop  }
0x3c: {  	p2 =	seq.s32 s10, $0x1;
	s10 =	sld [smem:$0x3FAB]  }
0x3d: {  	_ =	shalt  }
0x3e: {  	_ =	shalt  }
0x3f: {  	_ =	shalt  }
0x40: {  	_ =	shalt  }
0x41: {  	_ =	shalt  }
0x42: {  	_ =	shalt  }
0x43: {  	_ =	shalt  }
0x44: {  	_ =	shalt  }
0x45: {  	_ =	shalt  }
0x46: {  	_ =	shalt  }
0x47: {  	_ =	shalt  }
0x48: {  	_ =	shalt  }
0x49: {  	_ =	shalt  }
0x4a: {  	_ =	shalt  }
0x4b: {  	_ =	shalt  }
0x4c: {  	_ =	shalt  }
0x4d: {  	_ =	shalt  }
0x4e: {  	_ =	shalt  }
0x4f: {  	_ =	shalt  }
0x50: {  	_ =	shalt  }
0x51: {  	_ =	shalt  }
0x52: {  	_ =	shalt  }
0x53: {  	_ =	shalt  }
0x54: {  	_ =	shalt  }
0x55: {  	_ =	shalt  }
0x56: {  	_ =	shalt  }
0x57: {  	_ =	shalt  }
0x58: {  	_ =	shalt  }
0x59: {  	_ =	shalt  }
0x5a: {  	_ =	shalt  }
0x5b: {  	_ =	shalt  }
0x5c: {  	_ =	shalt  }
0x5d: {  	_ =	shalt  }
0x5e: {  	_ =	shalt  }
0x5f: {  	_ =	shalt  }
0x60: {  	_ =	shalt  }
0x61: {  	_ =	shalt  }
0x62: {  	_ =	shalt  }
0x63: {  	_ =	shalt  }
0x64: {  	_ =	shalt  }
0x65: {  	_ =	shalt  }
0x66: {  	_ =	shalt  }
0x67: {  	_ =	shalt  }
0x68: {  	_ =	shalt  }
0x69: {  	_ =	shalt  }
0x6a: {  	_ =	shalt  }
0x6b: {  	_ =	shalt  }
0x6c: {  	_ =	shalt  }
0x6d: {  	_ =	shalt  }
0x6e: {  	_ =	shalt  }
0x6f: {  	_ =	shalt  }
0x70: {  	_ =	shalt  }
0x71: {  	_ =	shalt  }
0x72: {  	_ =	shalt  }
0x73: {  	_ =	shalt  }
0x74: {  	_ =	shalt  }
0x75: {  	_ =	shalt  }
0x76: {  	_ =	shalt  }
0x77: {  	_ =	shalt  }
0x78: {  	_ =	shalt  }
0x79: {  	_ =	shalt  }
0x7a: {  	_ =	shalt  }
0x7b: {  	_ =	shalt  }
0x7c: {  	_ =	shalt  }
0x7d: {  	_ =	shalt  }
0x7e: {  	_ =	shalt  }
0x7f: {  	_ =	shalt  }
0x80: {  	_ =	shalt  }
0x81: {  	_ =	shalt  }
0x82: {  	_ =	shalt  }
0x83: {  	_ =	shalt  }
0x84: {  	_ =	shalt  }
0x85: {  	_ =	shalt  }
0x86: {  	_ =	shalt  }
0x87: {  	_ =	shalt  }
.Lfunc_end0:
.L_simem_size_0:
called_computation.3_lowered:
.L_overlay_start_0:
0x88: {  	s2 =	sld [smem:$0x3FD9]  }
0x89: {  	s3 =	sld [smem:$0x3FFE];
	_ =	sdelay $0x1  }
0x8a: {  	s1 =	srdreg.scid  }
0x8b: {  	s0 =	sand.u32 $0x1, s1  }
0x8c: {  	s14 =	sshll.u32 s0, $0xA;
	s2 =	sadd.s32 s3, s2  }
0x8d: {  	s2 =	sadd.s32 s2, s14  }
0x8e: {  	[smem:$0x3FB7] =	sst s2  }
0x8f: {  	_ = 	snop  }
0x90: {  	s2 =	sld [smem:$0x3FD0];
	_ =	sdelay $0x2  }
0x91: {  	s15 =	simm.s32 $0xA;
	s4 =	simm.s32 $0x10  }
0x92: {  	[smem:s4], [sflag:s15] =	dma.local [hbm:s2], $0x1  }
0x93: {  	_ =	swait.eq [sflag:s15], $0x1  }
0x94: {  	[sflag:s15] =	ssyncset.done $0x0  }
0x95: {  	[sflag:s15] =	ssyncadd.s32 $0xFFFFFFFF  }
0x96: {  	s16 =	sld [smem:$0x10];
	(tm) =	ssettm $0x1  }
0x97: {  	s17 =	sld [smem:$0x3FFB];
	_ =	sdelay $0x3  }
0x98: {  	_ =	strace s17  }
0x99: {  	s3 =	sld [smem:$0x3FFC];
	_ =	sdelay $0x3  }
0x9a: {  	_ =	strace s3  }
0x9b: {  	s3 =	sld [smem:$0x3FFD];
	_ =	sdelay $0x3  }
0x9c: {  	_ =	strace s3  }
0x9d: {  	_ =	strace $0x8FFFFFFF  }
0x9e: {  	s18 =	sld [smem:$0x3FDB];
	_ =	sdelay $0x1  }
0x9f: {  	s19 =	simm.s32 $_scs_section_size  }
0xa0: {  	s5 =	simm.s32 $_size__tile_overlayer_lowered;
	s6 =	simm.s32 $_tile_overlayer_lowered  }
0xa1: {  	s22 =	simm.s32 $0x1BFF;
	s21 =	sshll.u32 s6, $0x1;
	s3 =	sadd.s32 s19, s18  }
0xa2: {  	s7 =	simm.s32 $0x0;
	s20 =	sshll.u32 s5, $0x1;
	s5 =	sadd.s32 s21, s3  }
0xa3: {  	[timem:s7], [sflag:s22] =	dma.local [hbm:s5], s20  }
0xa4: {  	_ =	swait.ge [sflag:s22], s20  }
0xa5: {  	s4 =	ssub.s32 $0x0, s20;
	[sflag:s22] =	ssyncset.done $0x0  }
0xa6: {  	[sflag:s22] =	ssyncadd.s32 s4;
	_ =	sdelay $0x1  }
0xa7: {  	s23 =	simm.s32 $0x1B8B  }
0xa8: {  	_ =	swait.ge [sflag:s23], $0x1  }
0xa9: {  	[sflag:s23] =	ssyncset.done $0x0  }
0xaa: {  	s25 =	simm.s32 $0x1B8E;
	s24 =	sld [smem:$0x3FFE];
	[sflag:s23] =	ssyncadd.s32 $0xFFFFFFFF  }
0xab: {  	s26 =	simm.s32 $execute0_lowered;
	[smem:$0x3FD2] =	sst s25  }
0xac: {  	s5 =	sshll.u32 s26, $0x1;
	_ =	strace $0x8000004F;
	[dreg:$0x1] =	wrdreg $0xFFFFFFFF  }
0xad: {  	s28 =	simm.s32 $_size_execute0_lowered;
	s3 =	sadd.s32 s3, s5;
	[dreg:$0x0] =	wrdreg $0x0  }
0xae: {  	s5 =	sshll.u32 s28, $0x1;
	[dreg:$0x2] =	wrdreg s3  }
0xaf: {  	[dreg:$0x3] =	wrdreg s5  }
0xb0: {  	[dreg:$0x4] =	wrdreg $0xC0  }
0xb1: {  	_ =	task [dreg:s7], $0x5FFFF  }
0xb2: {  	[dreg:$0x1] =	wrdreg $0xFFFFFFFF  }
0xb3: {  	[dreg:$0x0] =	wrdreg $0x60  }
0xb4: {  	[dreg:$0x2] =	wrdreg s24  }
0xb5: {  	[dreg:$0x3] =	wrdreg s16  }
0xb6: {  	[dreg:$0x4] =	wrdreg $0x41000  }
0xb7: {  	[dreg:$0x5] =	wrdreg $0x9  }
0xb8: {  	_ =	task.clear_ibuf [dreg:s7], $0x6FFFF;
	_ =	strace $0x9000004F  }
0xb9: {  	s29 =	simm.s32 $0x9;
	_ =	strace $0x80000051  }
0xba: {  	_ =	swait.ge [sflag:s29], $0x1  }
0xbb: {  	[sflag:s29] =	ssyncadd.s32 $0xFFFFFFFF  }
0xbc: {  	_ =	strace $0x90000051  }
0xbd: {  	_ =	sfence  }
0xbe: {  	s30 =	sld [smem:$0x0];
	_ =	sdelay $0x2  }
0xbf: {  	s31 =	sshll.u32 s1, $0xD;
	s1 =	sshrl.u32 s1, $0x2  }
0xc0: {  	s3 =	sand.u32 $0x4000, s31;
	s1 =	sadd.s32 s1, s30  }
0xc1: {  	s0 =	sor.u32 s3, s0;
	s1 =	sshll.u32 s1, $0x11  }
0xc2: {  	s0 =	sor.u32 s1, s0  }
0xc3: {  	s0 =	sadd.s32 $0x8F2B, s0  }
0xc4: {  	[sflag:s0] =	ssyncadd.remote.s32 $0x1  }
0xc5: {  	_ =	sfence.sel $0xFFFF  }
0xc6: {  	[dreg:$0x0] =	wrdreg $0xFFFFFFFF;
	(pc) =	sbr.abs _section_cstart, $3  }
0xc7: {  	[dreg:$0x1] =	wrdreg $0xFFFFFFFF  }
0xc8: {  	_ =	task.clear_ibuf [dreg:s7], $0x2FFFF;
	_ =	strace $0x9FFFFFFF  }
0xc9: {  	(tm) =	ssettm $0x7FFFFFFF  }
tec
execute0_lowered:
.L_overlay_start_1:
0x0: {  	(tag) =	ssettag $0x1  }
0x1: {  	s6 =	rddreg [dreg:$0x0]  }
0x2: {  	s8 =	rddreg [dreg:$0x1]  }
0x3: {  	s0 =	srdreg.scid;
	s2 =	stileid.u32  }
0x4: {  	s1 =	rddreg [dreg:$0x2];
	s3 =	simm.s32 $0x0;
	s10 =	smul.u32 $0x14000, s2  }
0x5: {  	s15 =	simm.s32 $0x1;
	s16 =	simm.s32 $0x0;
	s12 =	smul.u32 $0x50000, s2  }
0x6: {  	s5 =	sand.u32 $0x1, s0;
	s0 =	rddreg [dreg:$0x3];
	s14 =	smul.u32 $0x4F0, s2  }
0x7: {  	[smem:$0x7FF] =	sst s3;
	s4 =	sadd.s32 $0xEC00, s6;
	s9 =	smul.u32 $0x4F00, s5  }
0x8: {  	s13 =	sshll.u32 s2, $0x6;
	s7 =	smul.u32 $0x140000, s5;
	s30 =	ssub.s32 $0x2, s5  }
0x9: {  	_ =	strace $0x80000050;
	s5 =	sadd.s32 $0x35E00, s6;
	s31 =	sshrl.u32 s30, $0x1  }
0xa: {  	s12 =	sshrl.u32 s12, $0x2;
	s11 =	sadd.s32 s9, s6;
	s7 =	sadd.s32 s10, s7  }
0xb: {  	s10 =	ssub.s32 s30, s31;
	s12 =	sadd.s32 s12, s1;
	s9 =	sadd.s32 s9, s8  }
0xc: {  	s7 =	sshrl.u32 s7, $0x3;
	s11 =	sadd.s32 s14, s11;
	s8 =	smax.u32 s10, $0x1  }
0xd: {  	s9 =	sadd.s32 s14, s9;
	s14 =	simm.s32 $0x100;
	s7 =	sadd.s32 s7, s6  }
0xe: {  	s6 =	sor.u32 $0x1C02, s13;
	s10 =	sadd.s32 $0x4E00, s11;
	s11 =	sshrl.u32 s12, $0x3  }
0xf: {  	s12 =	simm.s32 $0x2;
	s13 =	simm.s32 $0x80;
	s7 =	sadd.s32 $0x38600, s7  }
.LBB2_1:
0x10: {  	[spmem:s11], [sflag:s6] =	dma.local [hbm:s5], $0x2800  }
0x11: {  	_ =	swait.ge [sflag:s12], $0x2800  }
0x12: {  	[sflag:s12] =	ssyncset.done $0x0  }
0x13: {  	[sflag:s12] =	ssyncadd.s32 $0xFFFFD800  }
0x14: {  	s17 =	sadd.s32 $0x0, s10;
	[bflag:$0x0] =	sbarrier.arrive $0xFFFF  }
0x15: {  	[tilespmem:s3], [sflag:$0x2] =	stream.linear.gather [hbm4b:s17+s3], $0x80, $0x38;
	[tilespmem:$0x18100] =	vst v63  }
0x16: {  	_ =	swait.ge [sflag:s12], $0x80  }
0x17: {  	[sflag:s12] =	ssyncset.done $0x0  }
0x18: {  	s31 =	sadd.s32 $0x0, s9;
	[sflag:s12] =	ssyncadd.s32 $0xFFFFFF80  }
0x19: {  	[tilespmem:s13], [sflag:$0x2] =	stream.linear.gather [hbm4b:s31+s3], $0x80, $0x38;
	[tilespmem:$0x18100] =	vst v63  }
0x1a: {  	_ =	swait.ge [sflag:s12], $0x80  }
0x1b: {  	[sflag:s12] =	ssyncset.done $0x0  }
0x1c: {  	[sflag:s12] =	ssyncadd.s32 $0xFFFFFF80  }
0x1d: {  	[tilespmem:s14], [sflag:$0x1] =	stream.indirect.gather [hbm4b:s4+s13], $0x80, s3, s13, $0xb8;
	[tilespmem:$0x18100] =	vst v63  }
0x1e: {  	_ =	swait.ge [sflag:s15], $0x4000  }
0x1f: {  	[sflag:s15] =	ssyncset.done $0x0  }
0x20: {  	[sflag:s15] =	ssyncadd.s32 $0xFFFFC000  }
0x21: {  	[spmem:s1] =	stream.indirect.scatter.add.f32 [tilespmem:s14], [sflag:$0x2], $0x80, s13, s13, $0xb8;
	[tilespmem:$0x18100] =	vst v63  }
0x22: {  	_ =	swait.ge [sflag:s12], $0x4000  }
0x23: {  	s18 =	simm.s32 $0x20;
	s17 =	simm.s32 $0x10;
	[sflag:s12] =	ssyncset.done $0x0  }
.LBB2_2:
0x24: {  	s19 =	sadd.s32 s17, s10  }
0x25: {  	[sflag:s12] =	ssyncadd.s32 $0xFFFFC000;
	s20 =	smov.u32 s18;
	s21 =	sadd.s32 $0x10, s18  }
0x26: {  	[tilespmem:s3], [sflag:$0x2] =	stream.linear.gather [hbm4b:s19+s3], $0x80, $0x38;
	[tilespmem:$0x18100] =	vst v63  }
0x27: {  	p0 =	sne.s32 s18, $0x4E0;
	_ =	swait.ge [sflag:s12], $0x80  }
0x28: {  	[sflag:s12] =	ssyncset.done $0x0  }
0x29: {  	s18 =	sadd.s32 s17, s9;
	s17 =	smov.u32 s20;
	[sflag:s12] =	ssyncadd.s32 $0xFFFFFF80  }
0x2a: {  	[tilespmem:s13], [sflag:$0x2] =	stream.linear.gather [hbm4b:s18+s3], $0x80, $0x38;
	[tilespmem:$0x18100] =	vst v63  }
0x2b: {  	_ =	swait.ge [sflag:s12], $0x80  }
0x2c: {  	[sflag:s12] =	ssyncset.done $0x0  }
0x2d: {  	[sflag:s12] =	ssyncadd.s32 $0xFFFFFF80  }
0x2e: {  	[tilespmem:s14], [sflag:$0x1] =	stream.indirect.gather [hbm4b:s4+s13], $0x80, s3, s13, $0xb8;
	[tilespmem:$0x18100] =	vst v63  }
0x2f: {  	_ =	swait.ge [sflag:s15], $0x4000  }
.Ltmp0:
0x30: {  	[sflag:s15] =	ssyncset.done $0x0;
	(pc) =	sbr.rel @p0 .LBB2_2-.Ltmp0, $4  }
0x31: {  	[sflag:s15] =	ssyncadd.s32 $0xFFFFC000  }
0x32: {  	[spmem:s1] =	stream.indirect.scatter.add.f32 [tilespmem:s14], [sflag:$0x2], $0x80, s13, s13, $0xb8;
	[tilespmem:$0x18100] =	vst v63  }
0x33: {  	_ =	swait.ge [sflag:s12], $0x4000  }
0x34: {  	s18 =	smov.u32 s21;
	[sflag:s12] =	ssyncset.done $0x0  }
0x35: {  	s18 =	sadd.s32 s17, s10;
	[sflag:s12] =	ssyncadd.s32 $0xFFFFC000  }
0x36: {  	[tilespmem:s3], [sflag:$0x2] =	stream.linear.gather [hbm4b:s18+s3], $0x80, $0x38;
	[tilespmem:$0x18100] =	vst v63  }
0x37: {  	_ =	swait.ge [sflag:s12], $0x80  }
0x38: {  	[sflag:s12] =	ssyncset.done $0x0  }
0x39: {  	s31 =	sadd.s32 s17, s9;
	[sflag:s12] =	ssyncadd.s32 $0xFFFFFF80  }
0x3a: {  	[tilespmem:s13], [sflag:$0x2] =	stream.linear.gather [hbm4b:s31+s3], $0x80, $0x38;
	[tilespmem:$0x18100] =	vst v63  }
0x3b: {  	_ =	swait.ge [sflag:s12], $0x80  }
0x3c: {  	[sflag:s12] =	ssyncset.done $0x0  }
0x3d: {  	[sflag:s12] =	ssyncadd.s32 $0xFFFFFF80  }
0x3e: {  	[tilespmem:s14], [sflag:$0x1] =	stream.indirect.gather [hbm4b:s4+s13], $0x80, s3, s13, $0xb8;
	[tilespmem:$0x18100] =	vst v63  }
0x3f: {  	_ =	swait.ge [sflag:s15], $0x4000  }
0x40: {  	[sflag:s15] =	ssyncset.done $0x0  }
0x41: {  	[sflag:s15] =	ssyncadd.s32 $0xFFFFC000  }
0x42: {  	[spmem:s1] =	stream.indirect.scatter.add.f32 [tilespmem:s14], [sflag:$0x2], $0x80, s13, s13, $0xb8;
	[tilespmem:$0x18100] =	vst v63  }
0x43: {  	_ =	swait.ge [sflag:s12], $0x4000  }
0x44: {  	s16 =	sadd.s32 $0x1, s16;
	[sflag:s12] =	ssyncset.done $0x0  }
0x45: {  	p0 =	sne.s32 s16, s8;
	[sflag:s12] =	ssyncadd.s32 $0xFFFFC000  }
.Ltmp1:
0x46: {  	[bflag:$0x0] =	sbarrier.arrive $0xFFFF;
	(pc) =	sbr.rel @p0 .LBB2_1-.Ltmp1, $4  }
0x47: {  	[hbm:s7], [sflag:s6] =	dma.local [spmem:s11], $0x2800  }
0x48: {  	_ =	swait.ge [sflag:s12], $0x2800  }
0x49: {  	[sflag:s12] =	ssyncset.done $0x0  }
0x4a: {  	[sflag:s12] =	ssyncadd.s32 $0xFFFFD800  }
0x4b: {  	_ =	sfence.sel $0x180000  }
0x4c: {  	[bflag:$0x0] =	sbarrier.arrive $0xFFFF  }
0x4d: {  	p0 =	sne.s32 s2, $0x0;
	_ =	strace $0x90000050  }
0x4e: {  	s0 =	sadd.s32 @!p0 $0x100000, s0;
	[bflag:$0x2] =	sbarrier.arrive $0xFFFF  }
0x4f: {  	[sflag:s0] =	ssyncadd.tile.s32 @!p0 $0x1;
	_ =	shalt  }
.Lfunc_end2:
_tile_overlayer_lowered:
.L_overlay_start_2:
0x50: {  	(tag) =	ssettag $0x2  }
0x51: {  	s0 =	rddreg [dreg:$0x0];
	s2 =	stileid.u32  }
0x52: {  	s1 =	rddreg [dreg:$0x1];
	p0 =	sne.s32 s2, $0x0  }
0x53: {  	s3 =	rddreg [dreg:$0x2];
	[bflag:$0x3] =	sbarrier.arrive $0xFFFF;
	s2 =	simm.s32 @!p0 $0x1C02  }
0x54: {  	[timem:s3], [sflag:s2] =	dma.local @!p0 [hbm:s0], s1  }
0x55: {  	s0 =	simm.s32 @!p0 $0x2  }
0x56: {  	_ =	swait.ge @!p0 [sflag:s0], s1  }
0x57: {  	s1 =	ssub.s32 @!p0 $0x0, s1;
	[sflag:s0] =	ssyncset.done @!p0 $0x0  }
0x58: {  	[sflag:s0] =	ssyncadd.s32 @!p0 s1  }
0x59: {  	[bflag:$0x3] =	sbarrier.arrive $0xFFFF  }
0x5a: {  	_ =	shalt  }

</sc_bundles>
